<compile_context>
chip_gen: v7x
topology: tpu7x:2x2x1
jax: 0.10.2.dev20260603
libtpu: 0.0.44.dev20260713+nightly
codegen_flags: <defaults>
</compile_context>

<pallas_src>
import functools

import jax
import jax.numpy as jnp
from jax import lax
from jax.experimental import pallas as pl
from jax.experimental.pallas import tpu as pltpu
from jax.experimental.pallas import tpu_sc as plsc

_NC = 2
_NS = 16
_LANES = 128
_G = 64
_NBUF = 4


@functools.cache
def _segsum_call(n, h, e_pad):
    ntiles = _NC * _NS
    ept = e_pad // ntiles
    blocks = ept // _LANES
    assert blocks * _LANES * ntiles == e_pad
    assert blocks % _NBUF == 0
    assert n % 8 == 0
    zr = (n // _NS + 8) // 8 * 8
    n_acc = zr * _NS
    assert n_acc > n
    wr_last = n - zr * (_NS - 1)
    assert wr_last > 0 and wr_last % 8 == 0

    mesh = plsc.VectorSubcoreMesh(core_axis_name="c", subcore_axis_name="s")

    @functools.partial(
        pl.kernel,
        out_type=jax.ShapeDtypeStruct((_NC * n, h), jnp.float32),
        mesh=mesh,
        scratch_types=[
            pltpu.VMEM((blocks, _LANES), jnp.int32),
            pltpu.VMEM((blocks, _LANES), jnp.int32),
            pltpu.VMEM((_NBUF, _LANES, h), jnp.float32),
            pltpu.VMEM_SHARED((n_acc, h), jnp.float32),
        ] + [pltpu.SemaphoreType.DMA] * _NBUF,
        compiler_params=pltpu.CompilerParams(use_tc_tiling_on_sc=False),
    )
    def segsum(t_hbm, src_hbm, dst_hbm, zero_hbm, out_hbm,
               sidx, didx, rows, acc, *sems):
        c = lax.axis_index("c")
        s = lax.axis_index("s")
        wid = s * _NC + c
        pltpu.sync_copy(zero_hbm.at[pl.ds(s * zr, zr)],
                        acc.at[pl.ds(s * zr, zr)])
        pltpu.sync_copy(src_hbm.at[pl.ds(wid * blocks, blocks)], sidx)
        pltpu.sync_copy(dst_hbm.at[pl.ds(wid * blocks, blocks)], didx)
        plsc.subcore_barrier()

        for b in range(_NBUF):
            pltpu.make_async_copy(t_hbm.at[sidx.at[b]], rows.at[b],
                                  sems[b]).start()

        def body(k, carry):
            j0 = _NBUF * k
            for b in range(_NBUF):
                j = j0 + b
                pltpu.make_async_copy(t_hbm.at[sidx.at[j]], rows.at[b],
                                      sems[b]).wait()
                pltpu.sync_copy(rows.at[b], acc.at[didx.at[j]], add=True)
                jn = lax.rem(j + _NBUF, blocks)
                pltpu.make_async_copy(t_hbm.at[sidx.at[jn]], rows.at[b],
                                      sems[b]).start()
            return carry

        lax.fori_loop(0, blocks // _NBUF, body, 0)
        for b in range(_NBUF):
            pltpu.make_async_copy(t_hbm.at[sidx.at[b]], rows.at[b],
                                  sems[b]).wait()
        plsc.subcore_barrier()

        @pl.when(s < _NS - 1)
        def _():
            pltpu.sync_copy(acc.at[pl.ds(s * zr, zr)],
                            out_hbm.at[pl.ds(c * n + s * zr, zr)])

        @pl.when(s == _NS - 1)
        def _():
            pltpu.sync_copy(acc.at[pl.ds((_NS - 1) * zr, wr_last)],
                            out_hbm.at[pl.ds(c * n + (_NS - 1) * zr, wr_last)])

    return segsum


def _mm_body(x_ref, w_ref, o_ref):
    o_ref[...] = jnp.dot(x_ref[...], w_ref[...],
                         preferred_element_type=jnp.float32)


def _mlp_body(y_ref, p_ref, ba_ref, wb_ref, bb_ref, h_ref):
    n = y_ref.shape[0]
    p = p_ref[...]
    t = y_ref[...] + p[:n] + p[n:] + ba_ref[...]
    t = jnp.maximum(t, 0.0)
    t = jnp.dot(t, wb_ref[...], preferred_element_type=jnp.float32) + bb_ref[...]
    h_ref[...] = jnp.maximum(t, 0.0)


def _mlp2_pool_body(h_ref, p_ref, w2a_ref, b2a_ref, w2b_ref, b2b_ref,
                    batch_ref, wf_ref, bf_ref, o_ref):
    n = h_ref.shape[0]
    p = p_ref[...]
    t = h_ref[...] + p[:n] + p[n:]
    t = jnp.dot(t, w2a_ref[...], preferred_element_type=jnp.float32) + b2a_ref[...]
    t = jnp.maximum(t, 0.0)
    t = jnp.dot(t, w2b_ref[...], preferred_element_type=jnp.float32) + b2b_ref[...]
    h2 = jnp.maximum(t, 0.0)
    gids = lax.broadcasted_iota(jnp.int32, (_G, 1), 0)
    mask = (batch_ref[...] == gids).astype(jnp.float32)
    sums = jnp.dot(mask, h2, preferred_element_type=jnp.float32)
    counts = jnp.sum(mask, axis=1, keepdims=True)
    pooled = sums / jnp.maximum(counts, 1.0)
    o_ref[...] = jnp.dot(pooled, wf_ref[...],
                         preferred_element_type=jnp.float32) + bf_ref[...]


def kernel(x, edge_index, batch, W1a, b1a, W1b, b1b, W2a, b2a, W2b, b2b,
           Wf, bf):
    n, d = x.shape
    h = W1a.shape[1]
    e = edge_index.shape[1]

    chunk = _NC * _NS * _LANES * _NBUF
    e_pad = ((e + chunk - 1) // chunk) * chunk
    src = edge_index[0].astype(jnp.int32)
    dst = edge_index[1].astype(jnp.int32)
    pad = e_pad - e
    src_p = jnp.concatenate([src, jnp.zeros((pad,), jnp.int32)]
                            ).reshape(-1, _LANES)
    dst_p = jnp.concatenate([dst, jnp.full((pad,), n, jnp.int32)]
                            ).reshape(-1, _LANES)
    zr = (n // _NS + 8) // 8 * 8
    zeros_rows = jnp.zeros((zr * _NS, h), jnp.float32)
    batch2d = batch.astype(jnp.int32).reshape(1, n)

    segsum = _segsum_call(n, h, e_pad)

    y = pl.pallas_call(
        _mm_body,
        out_shape=jax.ShapeDtypeStruct((n, h), jnp.float32),
    )(x, W1a)
    p1 = segsum(y, src_p, dst_p, zeros_rows)
    h1 = pl.pallas_call(
        _mlp_body,
        out_shape=jax.ShapeDtypeStruct((n, h), jnp.float32),
    )(y, p1, b1a.reshape(1, h), W1b, b1b.reshape(1, h))

    p2 = segsum(h1, src_p, dst_p, zeros_rows)
    out = pl.pallas_call(
        _mlp2_pool_body,
        out_shape=jax.ShapeDtypeStruct((_G, 1), jnp.float32),
    )(h1, p2, W2a, b2a.reshape(1, h), W2b, b2b.reshape(1, h),
      batch2d, Wf, bf.reshape(1, 1))
    return out[:, 0]

# --- scband reference (transcript-rebuilt; emitter-appended) ---
"""Pipeline reference for scband-gin-64209761075688 (READ-ONLY COPY).

The authoritative reference and input builder live on the scoring server;
editing this copy changes nothing except your own understanding.
"""

import jax, jax.numpy as jnp
import numpy as np

N = 10000
E = 320000
D = 128
H = 64
G = 64


def setup_inputs(seed: int = 0) -> dict:
    key = jax.random.key(seed)
    ks = jax.random.split(key, 16)
    x = jax.random.normal(ks[0], (N, D), dtype=jnp.float32)
    edge_index = jax.random.randint(ks[1], (2, E), 0, N)
    batch = jnp.sort(jax.random.randint(ks[2], (N,), 0, G))
    s1 = 1.0 / np.sqrt(D)
    s2 = 1.0 / np.sqrt(H)
    W1a = jax.random.normal(ks[3], (D, H), dtype=jnp.float32) * s1
    b1a = jnp.zeros((H,), dtype=jnp.float32)
    W1b = jax.random.normal(ks[4], (H, H), dtype=jnp.float32) * s2
    b1b = jnp.zeros((H,), dtype=jnp.float32)
    W2a = jax.random.normal(ks[5], (H, H), dtype=jnp.float32) * s2
    b2a = jnp.zeros((H,), dtype=jnp.float32)
    W2b = jax.random.normal(ks[6], (H, H), dtype=jnp.float32) * s2
    b2b = jnp.zeros((H,), dtype=jnp.float32)
    Wf = jax.random.normal(ks[7], (H, 1), dtype=jnp.float32) * s2
    bf = jnp.zeros((1,), dtype=jnp.float32)
    return {"x": x, "edge_index": edge_index, "batch": batch,
            "W1a": W1a, "b1a": b1a, "W1b": W1b, "b1b": b1b,
            "W2a": W2a, "b2a": b2a, "W2b": W2b, "b2b": b2b,
            "Wf": Wf, "bf": bf}


def reference(x, edge_index, batch, W1a, b1a, W1b, b1b, W2a, b2a, W2b, b2b, Wf, bf):
    src = edge_index[0]
    dst = edge_index[1]
    n = x.shape[0]
    # GINConv layer 1: (1 + eps) * x + sum_{j in N(i)} x_j, eps = 0 (default, not trained)
    agg1 = jax.ops.segment_sum(x[src], dst, num_segments=n)
    h = x + agg1
    h = jnp.dot(h, W1a) + b1a
    h = jax.nn.relu(h)
    h = jnp.dot(h, W1b) + b1b
    h = jax.nn.relu(h)  # F.relu after conv1
    # GINConv layer 2
    agg2 = jax.ops.segment_sum(h[src], dst, num_segments=n)
    h2 = h + agg2
    h2 = jnp.dot(h2, W2a) + b2a
    h2 = jax.nn.relu(h2)
    h2 = jnp.dot(h2, W2b) + b2b
    h2 = jax.nn.relu(h2)  # F.relu after conv2
    # global_mean_pool over batch assignment
    sums = jax.ops.segment_sum(h2, batch, num_segments=G)
    counts = jax.ops.segment_sum(jnp.ones((n, 1), dtype=h2.dtype), batch, num_segments=G)
    pooled = sums / jnp.maximum(counts, 1.0)
    out = jnp.dot(pooled, Wf) + bf
    return out.squeeze(-1)

if __name__ == "__main__":
    import jax
    _d = setup_inputs()
    print(jax.jit(kernel)(*tuple(_d.values())))

</pallas_src>

<mosaic_0001>
#map = affine_map<(d0, d1) -> (0, 0)>
module attributes {stable_mosaic.version = 14 : i64} {
  func.func @segsum(%arg0: i32, %arg1: i32, %arg2: memref<10000x64xf32, #tpu.memory_space<hbm>>, %arg3: memref<2560x128xi32, #tpu.memory_space<hbm>>, %arg4: memref<2560x128xi32, #tpu.memory_space<hbm>>, %arg5: memref<10112x64xf32, #tpu.memory_space<hbm>>, %arg6: memref<20000x64xf32, #tpu.memory_space<hbm>>, %arg7: memref<80x128xi32, #tpu.memory_space<vmem>>, %arg8: memref<80x128xi32, #tpu.memory_space<vmem>>, %arg9: memref<4x128x64xf32, #tpu.memory_space<vmem>>, %arg10: memref<10112x64xf32, #tpu.memory_space<vmem_shared>>, %arg11: memref<!tpu.dma_semaphore, #tpu.memory_space<semaphore_mem>>, %arg12: memref<!tpu.dma_semaphore, #tpu.memory_space<semaphore_mem>>, %arg13: memref<!tpu.dma_semaphore, #tpu.memory_space<semaphore_mem>>, %arg14: memref<!tpu.dma_semaphore, #tpu.memory_space<semaphore_mem>>) attributes {dimension_semantics = [#tpu.dimension_semantics<core_parallel>, #tpu.dimension_semantics<subcore_parallel>], iteration_bounds = array<i64: 2, 16>, scalar_prefetch = 0 : i64, scratch_operands = 8 : i64, tpu.core_type = #tpu.core_type<sc_vector_subcore>, window_params = [{transform_indices = #map}, {transform_indices = #map}, {transform_indices = #map}, {transform_indices = #map}, {transform_indices = #map}]} {
    %mul3A = arith.constant 2 : i32
    %mul3A_0 = arith.muli %arg1, %mul3A : i32
    %add3A = arith.addi %mul3A_0, %arg0 : i32
    %mul3A_1 = arith.constant 632 : i32
    %mul3A_2 = arith.muli %arg1, %mul3A_1 : i32
    %mul3A_3 = arith.constant 632 : i32
    %mul3A_4 = arith.muli %arg1, %mul3A_3 : i32
    "tpu.region"() ({
      %run_scoped3A = tpu.sem_alloc : memref<!tpu.dma_semaphore, #tpu.memory_space<semaphore_mem>>
      %dma_start3A_115 = arith.constant 0 : i32
      %dma_start3A_116 = tpu.memref_slice %arg10[%mul3A_4, %dma_start3A_115] : memref<10112x64xf32, #tpu.memory_space<vmem_shared>> -> memref<632x64xf32, #tpu.memory_space<vmem_shared>>
      %dma_start3A_117 = arith.constant 0 : i32
      %dma_start3A_118 = tpu.memref_slice %arg5[%mul3A_2, %dma_start3A_117] : memref<10112x64xf32, #tpu.memory_space<hbm>> -> memref<632x64xf32, #tpu.memory_space<hbm>>
      tpu.enqueue_dma source(%dma_start3A_118 : memref<632x64xf32, #tpu.memory_space<hbm>>) target(%dma_start3A_116 : memref<632x64xf32, #tpu.memory_space<vmem_shared>>) target_semaphore(%run_scoped3A : memref<!tpu.dma_semaphore, #tpu.memory_space<semaphore_mem>>)
      %dma_wait3A_119 = arith.constant 0 : i32
      %dma_wait3A_120 = tpu.memref_slice %arg10[%mul3A_4, %dma_wait3A_119] : memref<10112x64xf32, #tpu.memory_space<vmem_shared>> -> memref<632x64xf32, #tpu.memory_space<vmem_shared>>
      %dma_wait3A_121 = arith.constant 0 : i32
      %dma_wait3A_122 = tpu.memref_slice %arg5[%mul3A_2, %dma_wait3A_121] : memref<10112x64xf32, #tpu.memory_space<hbm>> -> memref<632x64xf32, #tpu.memory_space<hbm>>
      tpu.wait_dma2 semaphore(%run_scoped3A : memref<!tpu.dma_semaphore, #tpu.memory_space<semaphore_mem>>) src(%dma_wait3A_122 : memref<632x64xf32, #tpu.memory_space<hbm>>) dst(%dma_wait3A_120 : memref<632x64xf32, #tpu.memory_space<vmem_shared>>)
      tpu.yield
    }) : () -> ()
    %mul3A_5 = arith.constant 80 : i32
    %mul3A_6 = arith.muli %add3A, %mul3A_5 : i32
    "tpu.region"() ({
      %run_scoped3A = tpu.sem_alloc : memref<!tpu.dma_semaphore, #tpu.memory_space<semaphore_mem>>
      %dma_start3A_115 = arith.constant 0 : i32
      %dma_start3A_116 = tpu.memref_slice %arg3[%mul3A_6, %dma_start3A_115] : memref<2560x128xi32, #tpu.memory_space<hbm>> -> memref<80x128xi32, #tpu.memory_space<hbm>>
      %dma_start3A_117 = arith.constant 0 : i32
      %dma_start3A_118 = tpu.memref_slice %arg3[%mul3A_6, %dma_start3A_117] : memref<2560x128xi32, #tpu.memory_space<hbm>> -> memref<80x128xi32, #tpu.memory_space<hbm>>
      tpu.enqueue_dma source(%dma_start3A_118 : memref<80x128xi32, #tpu.memory_space<hbm>>) target(%arg7 : memref<80x128xi32, #tpu.memory_space<vmem>>) target_semaphore(%run_scoped3A : memref<!tpu.dma_semaphore, #tpu.memory_space<semaphore_mem>>)
      %dma_wait3A_119 = arith.constant 0 : i32
      %dma_wait3A_120 = tpu.memref_slice %arg3[%mul3A_6, %dma_wait3A_119] : memref<2560x128xi32, #tpu.memory_space<hbm>> -> memref<80x128xi32, #tpu.memory_space<hbm>>
      %dma_wait3A_121 = arith.constant 0 : i32
      %dma_wait3A_122 = tpu.memref_slice %arg3[%mul3A_6, %dma_wait3A_121] : memref<2560x128xi32, #tpu.memory_space<hbm>> -> memref<80x128xi32, #tpu.memory_space<hbm>>
      tpu.wait_dma2 semaphore(%run_scoped3A : memref<!tpu.dma_semaphore, #tpu.memory_space<semaphore_mem>>) src(%dma_wait3A_122 : memref<80x128xi32, #tpu.memory_space<hbm>>) dst(%arg7 : memref<80x128xi32, #tpu.memory_space<vmem>>)
      tpu.yield
    }) : () -> ()
    %mul3A_7 = arith.constant 80 : i32
    %mul3A_8 = arith.muli %add3A, %mul3A_7 : i32
    "tpu.region"() ({
      %run_scoped3A = tpu.sem_alloc : memref<!tpu.dma_semaphore, #tpu.memory_space<semaphore_mem>>
      %dma_start3A_115 = arith.constant 0 : i32
      %dma_start3A_116 = tpu.memref_slice %arg4[%mul3A_8, %dma_start3A_115] : memref<2560x128xi32, #tpu.memory_space<hbm>> -> memref<80x128xi32, #tpu.memory_space<hbm>>
      %dma_start3A_117 = arith.constant 0 : i32
      %dma_start3A_118 = tpu.memref_slice %arg4[%mul3A_8, %dma_start3A_117] : memref<2560x128xi32, #tpu.memory_space<hbm>> -> memref<80x128xi32, #tpu.memory_space<hbm>>
      tpu.enqueue_dma source(%dma_start3A_118 : memref<80x128xi32, #tpu.memory_space<hbm>>) target(%arg8 : memref<80x128xi32, #tpu.memory_space<vmem>>) target_semaphore(%run_scoped3A : memref<!tpu.dma_semaphore, #tpu.memory_space<semaphore_mem>>)
      %dma_wait3A_119 = arith.constant 0 : i32
      %dma_wait3A_120 = tpu.memref_slice %arg4[%mul3A_8, %dma_wait3A_119] : memref<2560x128xi32, #tpu.memory_space<hbm>> -> memref<80x128xi32, #tpu.memory_space<hbm>>
      %dma_wait3A_121 = arith.constant 0 : i32
      %dma_wait3A_122 = tpu.memref_slice %arg4[%mul3A_8, %dma_wait3A_121] : memref<2560x128xi32, #tpu.memory_space<hbm>> -> memref<80x128xi32, #tpu.memory_space<hbm>>
      tpu.wait_dma2 semaphore(%run_scoped3A : memref<!tpu.dma_semaphore, #tpu.memory_space<semaphore_mem>>) src(%dma_wait3A_122 : memref<80x128xi32, #tpu.memory_space<hbm>>) dst(%arg8 : memref<80x128xi32, #tpu.memory_space<vmem>>)
      tpu.yield
    }) : () -> ()
    %barrier3A = arith.constant 0 : index
    tpu.barrier barrier_id(%barrier3A)
    %dma_start3A = arith.constant 0 : i32
    %dma_start3A_9 = arith.constant 0 : i32
    %dma_start3A_10 = arith.constant 0 : i32
    %dma_start3A_11 = arith.constant 0 : i32
    %dma_start3A_12 = tpu.memref_slice %arg9[%dma_start3A_9, %dma_start3A_10, %dma_start3A_11] : memref<4x128x64xf32, #tpu.memory_space<vmem>> -> memref<1x128x64xf32, #tpu.memory_space<vmem>>
    %dma_start3A_13 = tpu.memref_squeeze %dma_start3A_12 : memref<1x128x64xf32, #tpu.memory_space<vmem>> -> memref<128x64xf32, #tpu.memory_space<vmem>>
    %dma_start3A_14 = arith.constant 0 : i32
    %dma_start3A_15 = tpu.memref_slice %arg7[%dma_start3A, %dma_start3A_14] : memref<80x128xi32, #tpu.memory_space<vmem>> -> memref<1x128xi32, #tpu.memory_space<vmem>>
    %dma_start3A_16 = tpu.memref_squeeze %dma_start3A_15 : memref<1x128xi32, #tpu.memory_space<vmem>> -> memref<128xi32, #tpu.memory_space<vmem>>
    %dma_start3A_17 = arith.constant 0 : i32
    %dma_start3A_18 = arith.constant 0 : i32
    %dma_start3A_19 = tpu.memref_slice %arg2[%dma_start3A_17, %dma_start3A_18] : memref<10000x64xf32, #tpu.memory_space<hbm>> -> memref<10000x64xf32, #tpu.memory_space<hbm>>
    tpu.enqueue_indirect_dma source(%dma_start3A_19 : memref<10000x64xf32, #tpu.memory_space<hbm>>) target(%dma_start3A_13 : memref<128x64xf32, #tpu.memory_space<vmem>>) offsets(%dma_start3A_16 : memref<128xi32, #tpu.memory_space<vmem>>) semaphore(%arg11 : memref<!tpu.dma_semaphore, #tpu.memory_space<semaphore_mem>>)
    %dma_start3A_20 = arith.constant 1 : i32
    %dma_start3A_21 = arith.constant 1 : i32
    %dma_start3A_22 = arith.constant 0 : i32
    %dma_start3A_23 = arith.constant 0 : i32
    %dma_start3A_24 = tpu.memref_slice %arg9[%dma_start3A_21, %dma_start3A_22, %dma_start3A_23] : memref<4x128x64xf32, #tpu.memory_space<vmem>> -> memref<1x128x64xf32, #tpu.memory_space<vmem>>
    %dma_start3A_25 = tpu.memref_squeeze %dma_start3A_24 : memref<1x128x64xf32, #tpu.memory_space<vmem>> -> memref<128x64xf32, #tpu.memory_space<vmem>>
    %dma_start3A_26 = arith.constant 0 : i32
    %dma_start3A_27 = tpu.memref_slice %arg7[%dma_start3A_20, %dma_start3A_26] : memref<80x128xi32, #tpu.memory_space<vmem>> -> memref<1x128xi32, #tpu.memory_space<vmem>>
    %dma_start3A_28 = tpu.memref_squeeze %dma_start3A_27 : memref<1x128xi32, #tpu.memory_space<vmem>> -> memref<128xi32, #tpu.memory_space<vmem>>
    %dma_start3A_29 = arith.constant 0 : i32
    %dma_start3A_30 = arith.constant 0 : i32
    %dma_start3A_31 = tpu.memref_slice %arg2[%dma_start3A_29, %dma_start3A_30] : memref<10000x64xf32, #tpu.memory_space<hbm>> -> memref<10000x64xf32, #tpu.memory_space<hbm>>
    tpu.enqueue_indirect_dma source(%dma_start3A_31 : memref<10000x64xf32, #tpu.memory_space<hbm>>) target(%dma_start3A_25 : memref<128x64xf32, #tpu.memory_space<vmem>>) offsets(%dma_start3A_28 : memref<128xi32, #tpu.memory_space<vmem>>) semaphore(%arg12 : memref<!tpu.dma_semaphore, #tpu.memory_space<semaphore_mem>>)
    %dma_start3A_32 = arith.constant 2 : i32
    %dma_start3A_33 = arith.constant 2 : i32
    %dma_start3A_34 = arith.constant 0 : i32
    %dma_start3A_35 = arith.constant 0 : i32
    %dma_start3A_36 = tpu.memref_slice %arg9[%dma_start3A_33, %dma_start3A_34, %dma_start3A_35] : memref<4x128x64xf32, #tpu.memory_space<vmem>> -> memref<1x128x64xf32, #tpu.memory_space<vmem>>
    %dma_start3A_37 = tpu.memref_squeeze %dma_start3A_36 : memref<1x128x64xf32, #tpu.memory_space<vmem>> -> memref<128x64xf32, #tpu.memory_space<vmem>>
    %dma_start3A_38 = arith.constant 0 : i32
    %dma_start3A_39 = tpu.memref_slice %arg7[%dma_start3A_32, %dma_start3A_38] : memref<80x128xi32, #tpu.memory_space<vmem>> -> memref<1x128xi32, #tpu.memory_space<vmem>>
    %dma_start3A_40 = tpu.memref_squeeze %dma_start3A_39 : memref<1x128xi32, #tpu.memory_space<vmem>> -> memref<128xi32, #tpu.memory_space<vmem>>
    %dma_start3A_41 = arith.constant 0 : i32
    %dma_start3A_42 = arith.constant 0 : i32
    %dma_start3A_43 = tpu.memref_slice %arg2[%dma_start3A_41, %dma_start3A_42] : memref<10000x64xf32, #tpu.memory_space<hbm>> -> memref<10000x64xf32, #tpu.memory_space<hbm>>
    tpu.enqueue_indirect_dma source(%dma_start3A_43 : memref<10000x64xf32, #tpu.memory_space<hbm>>) target(%dma_start3A_37 : memref<128x64xf32, #tpu.memory_space<vmem>>) offsets(%dma_start3A_40 : memref<128xi32, #tpu.memory_space<vmem>>) semaphore(%arg13 : memref<!tpu.dma_semaphore, #tpu.memory_space<semaphore_mem>>)
    %dma_start3A_44 = arith.constant 3 : i32
    %dma_start3A_45 = arith.constant 3 : i32
    %dma_start3A_46 = arith.constant 0 : i32
    %dma_start3A_47 = arith.constant 0 : i32
    %dma_start3A_48 = tpu.memref_slice %arg9[%dma_start3A_45, %dma_start3A_46, %dma_start3A_47] : memref<4x128x64xf32, #tpu.memory_space<vmem>> -> memref<1x128x64xf32, #tpu.memory_space<vmem>>
    %dma_start3A_49 = tpu.memref_squeeze %dma_start3A_48 : memref<1x128x64xf32, #tpu.memory_space<vmem>> -> memref<128x64xf32, #tpu.memory_space<vmem>>
    %dma_start3A_50 = arith.constant 0 : i32
    %dma_start3A_51 = tpu.memref_slice %arg7[%dma_start3A_44, %dma_start3A_50] : memref<80x128xi32, #tpu.memory_space<vmem>> -> memref<1x128xi32, #tpu.memory_space<vmem>>
    %dma_start3A_52 = tpu.memref_squeeze %dma_start3A_51 : memref<1x128xi32, #tpu.memory_space<vmem>> -> memref<128xi32, #tpu.memory_space<vmem>>
    %dma_start3A_53 = arith.constant 0 : i32
    %dma_start3A_54 = arith.constant 0 : i32
    %dma_start3A_55 = tpu.memref_slice %arg2[%dma_start3A_53, %dma_start3A_54] : memref<10000x64xf32, #tpu.memory_space<hbm>> -> memref<10000x64xf32, #tpu.memory_space<hbm>>
    tpu.enqueue_indirect_dma source(%dma_start3A_55 : memref<10000x64xf32, #tpu.memory_space<hbm>>) target(%dma_start3A_49 : memref<128x64xf32, #tpu.memory_space<vmem>>) offsets(%dma_start3A_52 : memref<128xi32, #tpu.memory_space<vmem>>) semaphore(%arg14 : memref<!tpu.dma_semaphore, #tpu.memory_space<semaphore_mem>>)
    %scan3A = arith.constant 0 : i32
    %scan3A_56 = arith.constant 0 : i32
    %scan3A_57 = arith.constant 20 : i32
    %scan3A_58 = arith.addi %scan3A_56, %scan3A_57 : i32
    %scan3A_59 = arith.constant 1 : i32
    scf.for %scan3A_115 = %scan3A_56 to %scan3A_58 step %scan3A_59  : i32 {
      %mul3A_116 = arith.constant 4 : i32
      %mul3A_117 = arith.muli %mul3A_116, %scan3A_115 : i32
      %add3A_118 = arith.constant 0 : i32
      %add3A_119 = arith.addi %mul3A_117, %add3A_118 : i32
      %dma_wait3A_120 = arith.constant 0 : i32
      %dma_wait3A_121 = arith.constant 0 : i32
      %dma_wait3A_122 = arith.constant 0 : i32
      %dma_wait3A_123 = tpu.memref_slice %arg9[%dma_wait3A_120, %dma_wait3A_121, %dma_wait3A_122] : memref<4x128x64xf32, #tpu.memory_space<vmem>> -> memref<1x128x64xf32, #tpu.memory_space<vmem>>
      %dma_wait3A_124 = tpu.memref_squeeze %dma_wait3A_123 : memref<1x128x64xf32, #tpu.memory_space<vmem>> -> memref<128x64xf32, #tpu.memory_space<vmem>>
      %dma_wait3A_125 = arith.constant 0 : i32
      %dma_wait3A_126 = tpu.memref_slice %arg7[%add3A_119, %dma_wait3A_125] : memref<80x128xi32, #tpu.memory_space<vmem>> -> memref<1x128xi32, #tpu.memory_space<vmem>>
      %dma_wait3A_127 = tpu.memref_squeeze %dma_wait3A_126 : memref<1x128xi32, #tpu.memory_space<vmem>> -> memref<128xi32, #tpu.memory_space<vmem>>
      %dma_wait3A_128 = arith.constant 0 : i32
      %dma_wait3A_129 = arith.constant 0 : i32
      %dma_wait3A_130 = tpu.memref_slice %arg2[%dma_wait3A_128, %dma_wait3A_129] : memref<10000x64xf32, #tpu.memory_space<hbm>> -> memref<10000x64xf32, #tpu.memory_space<hbm>>
      tpu.wait_indirect_dma semaphore(%arg11 : memref<!tpu.dma_semaphore, #tpu.memory_space<semaphore_mem>>) src(%dma_wait3A_130 : memref<10000x64xf32, #tpu.memory_space<hbm>>) dst(%dma_wait3A_124 : memref<128x64xf32, #tpu.memory_space<vmem>>)
      %run_scoped3A = arith.constant 0 : i32
      "tpu.region"() ({
        %run_scoped3A_232 = tpu.sem_alloc : memref<!tpu.dma_semaphore, #tpu.memory_space<semaphore_mem>>
        %dma_start3A_233 = arith.constant 0 : i32
        %dma_start3A_234 = arith.constant 0 : i32
        %dma_start3A_235 = tpu.memref_slice %arg9[%run_scoped3A, %dma_start3A_233, %dma_start3A_234] : memref<4x128x64xf32, #tpu.memory_space<vmem>> -> memref<1x128x64xf32, #tpu.memory_space<vmem>>
        %dma_start3A_236 = tpu.memref_squeeze %dma_start3A_235 : memref<1x128x64xf32, #tpu.memory_space<vmem>> -> memref<128x64xf32, #tpu.memory_space<vmem>>
        %dma_start3A_237 = arith.constant 0 : i32
        %dma_start3A_238 = tpu.memref_slice %arg8[%add3A_119, %dma_start3A_237] : memref<80x128xi32, #tpu.memory_space<vmem>> -> memref<1x128xi32, #tpu.memory_space<vmem>>
        %dma_start3A_239 = tpu.memref_squeeze %dma_start3A_238 : memref<1x128xi32, #tpu.memory_space<vmem>> -> memref<128xi32, #tpu.memory_space<vmem>>
        %dma_start3A_240 = arith.constant 0 : i32
        %dma_start3A_241 = arith.constant 0 : i32
        %dma_start3A_242 = tpu.memref_slice %arg10[%dma_start3A_240, %dma_start3A_241] : memref<10112x64xf32, #tpu.memory_space<vmem_shared>> -> memref<10112x64xf32, #tpu.memory_space<vmem_shared>>
        tpu.enqueue_indirect_dma source(%dma_start3A_236 : memref<128x64xf32, #tpu.memory_space<vmem>>) target(%dma_start3A_242 : memref<10112x64xf32, #tpu.memory_space<vmem_shared>>) offsets(%dma_start3A_239 : memref<128xi32, #tpu.memory_space<vmem>>) semaphore(%run_scoped3A_232 : memref<!tpu.dma_semaphore, #tpu.memory_space<semaphore_mem>>) {add = true}
        %dma_wait3A_243 = arith.constant 0 : i32
        %dma_wait3A_244 = arith.constant 0 : i32
        %dma_wait3A_245 = tpu.memref_slice %arg9[%run_scoped3A, %dma_wait3A_243, %dma_wait3A_244] : memref<4x128x64xf32, #tpu.memory_space<vmem>> -> memref<1x128x64xf32, #tpu.memory_space<vmem>>
        %dma_wait3A_246 = tpu.memref_squeeze %dma_wait3A_245 : memref<1x128x64xf32, #tpu.memory_space<vmem>> -> memref<128x64xf32, #tpu.memory_space<vmem>>
        %dma_wait3A_247 = arith.constant 0 : i32
        %dma_wait3A_248 = tpu.memref_slice %arg8[%add3A_119, %dma_wait3A_247] : memref<80x128xi32, #tpu.memory_space<vmem>> -> memref<1x128xi32, #tpu.memory_space<vmem>>
        %dma_wait3A_249 = tpu.memref_squeeze %dma_wait3A_248 : memref<1x128xi32, #tpu.memory_space<vmem>> -> memref<128xi32, #tpu.memory_space<vmem>>
        %dma_wait3A_250 = arith.constant 0 : i32
        %dma_wait3A_251 = arith.constant 0 : i32
        %dma_wait3A_252 = tpu.memref_slice %arg10[%dma_wait3A_250, %dma_wait3A_251] : memref<10112x64xf32, #tpu.memory_space<vmem_shared>> -> memref<10112x64xf32, #tpu.memory_space<vmem_shared>>
        tpu.wait_indirect_dma semaphore(%run_scoped3A_232 : memref<!tpu.dma_semaphore, #tpu.memory_space<semaphore_mem>>) src(%dma_wait3A_246 : memref<128x64xf32, #tpu.memory_space<vmem>>) dst(%dma_wait3A_252 : memref<10112x64xf32, #tpu.memory_space<vmem_shared>>)
        tpu.yield
      }) : () -> ()
      %add3A_131 = arith.constant 4 : i32
      %add3A_132 = arith.addi %add3A_119, %add3A_131 : i32
      %rem3A = arith.constant 80 : i32
      %rem3A_133 = arith.remsi %add3A_132, %rem3A : i32
      %dma_start3A_134 = arith.constant 0 : i32
      %dma_start3A_135 = arith.constant 0 : i32
      %dma_start3A_136 = arith.constant 0 : i32
      %dma_start3A_137 = tpu.memref_slice %arg9[%dma_start3A_134, %dma_start3A_135, %dma_start3A_136] : memref<4x128x64xf32, #tpu.memory_space<vmem>> -> memref<1x128x64xf32, #tpu.memory_space<vmem>>
      %dma_start3A_138 = tpu.memref_squeeze %dma_start3A_137 : memref<1x128x64xf32, #tpu.memory_space<vmem>> -> memref<128x64xf32, #tpu.memory_space<vmem>>
      %dma_start3A_139 = arith.constant 0 : i32
      %dma_start3A_140 = tpu.memref_slice %arg7[%rem3A_133, %dma_start3A_139] : memref<80x128xi32, #tpu.memory_space<vmem>> -> memref<1x128xi32, #tpu.memory_space<vmem>>
      %dma_start3A_141 = tpu.memref_squeeze %dma_start3A_140 : memref<1x128xi32, #tpu.memory_space<vmem>> -> memref<128xi32, #tpu.memory_space<vmem>>
      %dma_start3A_142 = arith.constant 0 : i32
      %dma_start3A_143 = arith.constant 0 : i32
      %dma_start3A_144 = tpu.memref_slice %arg2[%dma_start3A_142, %dma_start3A_143] : memref<10000x64xf32, #tpu.memory_space<hbm>> -> memref<10000x64xf32, #tpu.memory_space<hbm>>
      tpu.enqueue_indirect_dma source(%dma_start3A_144 : memref<10000x64xf32, #tpu.memory_space<hbm>>) target(%dma_start3A_138 : memref<128x64xf32, #tpu.memory_space<vmem>>) offsets(%dma_start3A_141 : memref<128xi32, #tpu.memory_space<vmem>>) semaphore(%arg11 : memref<!tpu.dma_semaphore, #tpu.memory_space<semaphore_mem>>)
      %add3A_145 = arith.constant 1 : i32
      %add3A_146 = arith.addi %mul3A_117, %add3A_145 : i32
      %dma_wait3A_147 = arith.constant 1 : i32
      %dma_wait3A_148 = arith.constant 0 : i32
      %dma_wait3A_149 = arith.constant 0 : i32
      %dma_wait3A_150 = tpu.memref_slice %arg9[%dma_wait3A_147, %dma_wait3A_148, %dma_wait3A_149] : memref<4x128x64xf32, #tpu.memory_space<vmem>> -> memref<1x128x64xf32, #tpu.memory_space<vmem>>
      %dma_wait3A_151 = tpu.memref_squeeze %dma_wait3A_150 : memref<1x128x64xf32, #tpu.memory_space<vmem>> -> memref<128x64xf32, #tpu.memory_space<vmem>>
      %dma_wait3A_152 = arith.constant 0 : i32
      %dma_wait3A_153 = tpu.memref_slice %arg7[%add3A_146, %dma_wait3A_152] : memref<80x128xi32, #tpu.memory_space<vmem>> -> memref<1x128xi32, #tpu.memory_space<vmem>>
      %dma_wait3A_154 = tpu.memref_squeeze %dma_wait3A_153 : memref<1x128xi32, #tpu.memory_space<vmem>> -> memref<128xi32, #tpu.memory_space<vmem>>
      %dma_wait3A_155 = arith.constant 0 : i32
      %dma_wait3A_156 = arith.constant 0 : i32
      %dma_wait3A_157 = tpu.memref_slice %arg2[%dma_wait3A_155, %dma_wait3A_156] : memref<10000x64xf32, #tpu.memory_space<hbm>> -> memref<10000x64xf32, #tpu.memory_space<hbm>>
      tpu.wait_indirect_dma semaphore(%arg12 : memref<!tpu.dma_semaphore, #tpu.memory_space<semaphore_mem>>) src(%dma_wait3A_157 : memref<10000x64xf32, #tpu.memory_space<hbm>>) dst(%dma_wait3A_151 : memref<128x64xf32, #tpu.memory_space<vmem>>)
      %run_scoped3A_158 = arith.constant 1 : i32
      "tpu.region"() ({
        %run_scoped3A_232 = tpu.sem_alloc : memref<!tpu.dma_semaphore, #tpu.memory_space<semaphore_mem>>
        %dma_start3A_233 = arith.constant 0 : i32
        %dma_start3A_234 = arith.constant 0 : i32
        %dma_start3A_235 = tpu.memref_slice %arg9[%run_scoped3A_158, %dma_start3A_233, %dma_start3A_234] : memref<4x128x64xf32, #tpu.memory_space<vmem>> -> memref<1x128x64xf32, #tpu.memory_space<vmem>>
        %dma_start3A_236 = tpu.memref_squeeze %dma_start3A_235 : memref<1x128x64xf32, #tpu.memory_space<vmem>> -> memref<128x64xf32, #tpu.memory_space<vmem>>
        %dma_start3A_237 = arith.constant 0 : i32
        %dma_start3A_238 = tpu.memref_slice %arg8[%add3A_146, %dma_start3A_237] : memref<80x128xi32, #tpu.memory_space<vmem>> -> memref<1x128xi32, #tpu.memory_space<vmem>>
        %dma_start3A_239 = tpu.memref_squeeze %dma_start3A_238 : memref<1x128xi32, #tpu.memory_space<vmem>> -> memref<128xi32, #tpu.memory_space<vmem>>
        %dma_start3A_240 = arith.constant 0 : i32
        %dma_start3A_241 = arith.constant 0 : i32
        %dma_start3A_242 = tpu.memref_slice %arg10[%dma_start3A_240, %dma_start3A_241] : memref<10112x64xf32, #tpu.memory_space<vmem_shared>> -> memref<10112x64xf32, #tpu.memory_space<vmem_shared>>
        tpu.enqueue_indirect_dma source(%dma_start3A_236 : memref<128x64xf32, #tpu.memory_space<vmem>>) target(%dma_start3A_242 : memref<10112x64xf32, #tpu.memory_space<vmem_shared>>) offsets(%dma_start3A_239 : memref<128xi32, #tpu.memory_space<vmem>>) semaphore(%run_scoped3A_232 : memref<!tpu.dma_semaphore, #tpu.memory_space<semaphore_mem>>) {add = true}
        %dma_wait3A_243 = arith.constant 0 : i32
        %dma_wait3A_244 = arith.constant 0 : i32
        %dma_wait3A_245 = tpu.memref_slice %arg9[%run_scoped3A_158, %dma_wait3A_243, %dma_wait3A_244] : memref<4x128x64xf32, #tpu.memory_space<vmem>> -> memref<1x128x64xf32, #tpu.memory_space<vmem>>
        %dma_wait3A_246 = tpu.memref_squeeze %dma_wait3A_245 : memref<1x128x64xf32, #tpu.memory_space<vmem>> -> memref<128x64xf32, #tpu.memory_space<vmem>>
        %dma_wait3A_247 = arith.constant 0 : i32
        %dma_wait3A_248 = tpu.memref_slice %arg8[%add3A_146, %dma_wait3A_247] : memref<80x128xi32, #tpu.memory_space<vmem>> -> memref<1x128xi32, #tpu.memory_space<vmem>>
        %dma_wait3A_249 = tpu.memref_squeeze %dma_wait3A_248 : memref<1x128xi32, #tpu.memory_space<vmem>> -> memref<128xi32, #tpu.memory_space<vmem>>
        %dma_wait3A_250 = arith.constant 0 : i32
        %dma_wait3A_251 = arith.constant 0 : i32
        %dma_wait3A_252 = tpu.memref_slice %arg10[%dma_wait3A_250, %dma_wait3A_251] : memref<10112x64xf32, #tpu.memory_space<vmem_shared>> -> memref<10112x64xf32, #tpu.memory_space<vmem_shared>>
        tpu.wait_indirect_dma semaphore(%run_scoped3A_232 : memref<!tpu.dma_semaphore, #tpu.memory_space<semaphore_mem>>) src(%dma_wait3A_246 : memref<128x64xf32, #tpu.memory_space<vmem>>) dst(%dma_wait3A_252 : memref<10112x64xf32, #tpu.memory_space<vmem_shared>>)
        tpu.yield
      }) : () -> ()
      %add3A_159 = arith.constant 4 : i32
      %add3A_160 = arith.addi %add3A_146, %add3A_159 : i32
      %rem3A_161 = arith.constant 80 : i32
      %rem3A_162 = arith.remsi %add3A_160, %rem3A_161 : i32
      %dma_start3A_163 = arith.constant 1 : i32
      %dma_start3A_164 = arith.constant 0 : i32
      %dma_start3A_165 = arith.constant 0 : i32
      %dma_start3A_166 = tpu.memref_slice %arg9[%dma_start3A_163, %dma_start3A_164, %dma_start3A_165] : memref<4x128x64xf32, #tpu.memory_space<vmem>> -> memref<1x128x64xf32, #tpu.memory_space<vmem>>
      %dma_start3A_167 = tpu.memref_squeeze %dma_start3A_166 : memref<1x128x64xf32, #tpu.memory_space<vmem>> -> memref<128x64xf32, #tpu.memory_space<vmem>>
      %dma_start3A_168 = arith.constant 0 : i32
      %dma_start3A_169 = tpu.memref_slice %arg7[%rem3A_162, %dma_start3A_168] : memref<80x128xi32, #tpu.memory_space<vmem>> -> memref<1x128xi32, #tpu.memory_space<vmem>>
      %dma_start3A_170 = tpu.memref_squeeze %dma_start3A_169 : memref<1x128xi32, #tpu.memory_space<vmem>> -> memref<128xi32, #tpu.memory_space<vmem>>
      %dma_start3A_171 = arith.constant 0 : i32
      %dma_start3A_172 = arith.constant 0 : i32
      %dma_start3A_173 = tpu.memref_slice %arg2[%dma_start3A_171, %dma_start3A_172] : memref<10000x64xf32, #tpu.memory_space<hbm>> -> memref<10000x64xf32, #tpu.memory_space<hbm>>
      tpu.enqueue_indirect_dma source(%dma_start3A_173 : memref<10000x64xf32, #tpu.memory_space<hbm>>) target(%dma_start3A_167 : memref<128x64xf32, #tpu.memory_space<vmem>>) offsets(%dma_start3A_170 : memref<128xi32, #tpu.memory_space<vmem>>) semaphore(%arg12 : memref<!tpu.dma_semaphore, #tpu.memory_space<semaphore_mem>>)
      %add3A_174 = arith.constant 2 : i32
      %add3A_175 = arith.addi %mul3A_117, %add3A_174 : i32
      %dma_wait3A_176 = arith.constant 2 : i32
      %dma_wait3A_177 = arith.constant 0 : i32
      %dma_wait3A_178 = arith.constant 0 : i32
      %dma_wait3A_179 = tpu.memref_slice %arg9[%dma_wait3A_176, %dma_wait3A_177, %dma_wait3A_178] : memref<4x128x64xf32, #tpu.memory_space<vmem>> -> memref<1x128x64xf32, #tpu.memory_space<vmem>>
      %dma_wait3A_180 = tpu.memref_squeeze %dma_wait3A_179 : memref<1x128x64xf32, #tpu.memory_space<vmem>> -> memref<128x64xf32, #tpu.memory_space<vmem>>
      %dma_wait3A_181 = arith.constant 0 : i32
      %dma_wait3A_182 = tpu.memref_slice %arg7[%add3A_175, %dma_wait3A_181] : memref<80x128xi32, #tpu.memory_space<vmem>> -> memref<1x128xi32, #tpu.memory_space<vmem>>
      %dma_wait3A_183 = tpu.memref_squeeze %dma_wait3A_182 : memref<1x128xi32, #tpu.memory_space<vmem>> -> memref<128xi32, #tpu.memory_space<vmem>>
      %dma_wait3A_184 = arith.constant 0 : i32
      %dma_wait3A_185 = arith.constant 0 : i32
      %dma_wait3A_186 = tpu.memref_slice %arg2[%dma_wait3A_184, %dma_wait3A_185] : memref<10000x64xf32, #tpu.memory_space<hbm>> -> memref<10000x64xf32, #tpu.memory_space<hbm>>
      tpu.wait_indirect_dma semaphore(%arg13 : memref<!tpu.dma_semaphore, #tpu.memory_space<semaphore_mem>>) src(%dma_wait3A_186 : memref<10000x64xf32, #tpu.memory_space<hbm>>) dst(%dma_wait3A_180 : memref<128x64xf32, #tpu.memory_space<vmem>>)
      %run_scoped3A_187 = arith.constant 2 : i32
      "tpu.region"() ({
        %run_scoped3A_232 = tpu.sem_alloc : memref<!tpu.dma_semaphore, #tpu.memory_space<semaphore_mem>>
        %dma_start3A_233 = arith.constant 0 : i32
        %dma_start3A_234 = arith.constant 0 : i32
        %dma_start3A_235 = tpu.memref_slice %arg9[%run_scoped3A_187, %dma_start3A_233, %dma_start3A_234] : memref<4x128x64xf32, #tpu.memory_space<vmem>> -> memref<1x128x64xf32, #tpu.memory_space<vmem>>
        %dma_start3A_236 = tpu.memref_squeeze %dma_start3A_235 : memref<1x128x64xf32, #tpu.memory_space<vmem>> -> memref<128x64xf32, #tpu.memory_space<vmem>>
        %dma_start3A_237 = arith.constant 0 : i32
        %dma_start3A_238 = tpu.memref_slice %arg8[%add3A_175, %dma_start3A_237] : memref<80x128xi32, #tpu.memory_space<vmem>> -> memref<1x128xi32, #tpu.memory_space<vmem>>
        %dma_start3A_239 = tpu.memref_squeeze %dma_start3A_238 : memref<1x128xi32, #tpu.memory_space<vmem>> -> memref<128xi32, #tpu.memory_space<vmem>>
        %dma_start3A_240 = arith.constant 0 : i32
        %dma_start3A_241 = arith.constant 0 : i32
        %dma_start3A_242 = tpu.memref_slice %arg10[%dma_start3A_240, %dma_start3A_241] : memref<10112x64xf32, #tpu.memory_space<vmem_shared>> -> memref<10112x64xf32, #tpu.memory_space<vmem_shared>>
        tpu.enqueue_indirect_dma source(%dma_start3A_236 : memref<128x64xf32, #tpu.memory_space<vmem>>) target(%dma_start3A_242 : memref<10112x64xf32, #tpu.memory_space<vmem_shared>>) offsets(%dma_start3A_239 : memref<128xi32, #tpu.memory_space<vmem>>) semaphore(%run_scoped3A_232 : memref<!tpu.dma_semaphore, #tpu.memory_space<semaphore_mem>>) {add = true}
        %dma_wait3A_243 = arith.constant 0 : i32
        %dma_wait3A_244 = arith.constant 0 : i32
        %dma_wait3A_245 = tpu.memref_slice %arg9[%run_scoped3A_187, %dma_wait3A_243, %dma_wait3A_244] : memref<4x128x64xf32, #tpu.memory_space<vmem>> -> memref<1x128x64xf32, #tpu.memory_space<vmem>>
        %dma_wait3A_246 = tpu.memref_squeeze %dma_wait3A_245 : memref<1x128x64xf32, #tpu.memory_space<vmem>> -> memref<128x64xf32, #tpu.memory_space<vmem>>
        %dma_wait3A_247 = arith.constant 0 : i32
        %dma_wait3A_248 = tpu.memref_slice %arg8[%add3A_175, %dma_wait3A_247] : memref<80x128xi32, #tpu.memory_space<vmem>> -> memref<1x128xi32, #tpu.memory_space<vmem>>
        %dma_wait3A_249 = tpu.memref_squeeze %dma_wait3A_248 : memref<1x128xi32, #tpu.memory_space<vmem>> -> memref<128xi32, #tpu.memory_space<vmem>>
        %dma_wait3A_250 = arith.constant 0 : i32
        %dma_wait3A_251 = arith.constant 0 : i32
        %dma_wait3A_252 = tpu.memref_slice %arg10[%dma_wait3A_250, %dma_wait3A_251] : memref<10112x64xf32, #tpu.memory_space<vmem_shared>> -> memref<10112x64xf32, #tpu.memory_space<vmem_shared>>
        tpu.wait_indirect_dma semaphore(%run_scoped3A_232 : memref<!tpu.dma_semaphore, #tpu.memory_space<semaphore_mem>>) src(%dma_wait3A_246 : memref<128x64xf32, #tpu.memory_space<vmem>>) dst(%dma_wait3A_252 : memref<10112x64xf32, #tpu.memory_space<vmem_shared>>)
        tpu.yield
      }) : () -> ()
      %add3A_188 = arith.constant 4 : i32
      %add3A_189 = arith.addi %add3A_175, %add3A_188 : i32
      %rem3A_190 = arith.constant 80 : i32
      %rem3A_191 = arith.remsi %add3A_189, %rem3A_190 : i32
      %dma_start3A_192 = arith.constant 2 : i32
      %dma_start3A_193 = arith.constant 0 : i32
      %dma_start3A_194 = arith.constant 0 : i32
      %dma_start3A_195 = tpu.memref_slice %arg9[%dma_start3A_192, %dma_start3A_193, %dma_start3A_194] : memref<4x128x64xf32, #tpu.memory_space<vmem>> -> memref<1x128x64xf32, #tpu.memory_space<vmem>>
      %dma_start3A_196 = tpu.memref_squeeze %dma_start3A_195 : memref<1x128x64xf32, #tpu.memory_space<vmem>> -> memref<128x64xf32, #tpu.memory_space<vmem>>
      %dma_start3A_197 = arith.constant 0 : i32
      %dma_start3A_198 = tpu.memref_slice %arg7[%rem3A_191, %dma_start3A_197] : memref<80x128xi32, #tpu.memory_space<vmem>> -> memref<1x128xi32, #tpu.memory_space<vmem>>
      %dma_start3A_199 = tpu.memref_squeeze %dma_start3A_198 : memref<1x128xi32, #tpu.memory_space<vmem>> -> memref<128xi32, #tpu.memory_space<vmem>>
      %dma_start3A_200 = arith.constant 0 : i32
      %dma_start3A_201 = arith.constant 0 : i32
      %dma_start3A_202 = tpu.memref_slice %arg2[%dma_start3A_200, %dma_start3A_201] : memref<10000x64xf32, #tpu.memory_space<hbm>> -> memref<10000x64xf32, #tpu.memory_space<hbm>>
      tpu.enqueue_indirect_dma source(%dma_start3A_202 : memref<10000x64xf32, #tpu.memory_space<hbm>>) target(%dma_start3A_196 : memref<128x64xf32, #tpu.memory_space<vmem>>) offsets(%dma_start3A_199 : memref<128xi32, #tpu.memory_space<vmem>>) semaphore(%arg13 : memref<!tpu.dma_semaphore, #tpu.memory_space<semaphore_mem>>)
      %add3A_203 = arith.constant 3 : i32
      %add3A_204 = arith.addi %mul3A_117, %add3A_203 : i32
      %dma_wait3A_205 = arith.constant 3 : i32
      %dma_wait3A_206 = arith.constant 0 : i32
      %dma_wait3A_207 = arith.constant 0 : i32
      %dma_wait3A_208 = tpu.memref_slice %arg9[%dma_wait3A_205, %dma_wait3A_206, %dma_wait3A_207] : memref<4x128x64xf32, #tpu.memory_space<vmem>> -> memref<1x128x64xf32, #tpu.memory_space<vmem>>
      %dma_wait3A_209 = tpu.memref_squeeze %dma_wait3A_208 : memref<1x128x64xf32, #tpu.memory_space<vmem>> -> memref<128x64xf32, #tpu.memory_space<vmem>>
      %dma_wait3A_210 = arith.constant 0 : i32
      %dma_wait3A_211 = tpu.memref_slice %arg7[%add3A_204, %dma_wait3A_210] : memref<80x128xi32, #tpu.memory_space<vmem>> -> memref<1x128xi32, #tpu.memory_space<vmem>>
      %dma_wait3A_212 = tpu.memref_squeeze %dma_wait3A_211 : memref<1x128xi32, #tpu.memory_space<vmem>> -> memref<128xi32, #tpu.memory_space<vmem>>
      %dma_wait3A_213 = arith.constant 0 : i32
      %dma_wait3A_214 = arith.constant 0 : i32
      %dma_wait3A_215 = tpu.memref_slice %arg2[%dma_wait3A_213, %dma_wait3A_214] : memref<10000x64xf32, #tpu.memory_space<hbm>> -> memref<10000x64xf32, #tpu.memory_space<hbm>>
      tpu.wait_indirect_dma semaphore(%arg14 : memref<!tpu.dma_semaphore, #tpu.memory_space<semaphore_mem>>) src(%dma_wait3A_215 : memref<10000x64xf32, #tpu.memory_space<hbm>>) dst(%dma_wait3A_209 : memref<128x64xf32, #tpu.memory_space<vmem>>)
      %run_scoped3A_216 = arith.constant 3 : i32
      "tpu.region"() ({
        %run_scoped3A_232 = tpu.sem_alloc : memref<!tpu.dma_semaphore, #tpu.memory_space<semaphore_mem>>
        %dma_start3A_233 = arith.constant 0 : i32
        %dma_start3A_234 = arith.constant 0 : i32
        %dma_start3A_235 = tpu.memref_slice %arg9[%run_scoped3A_216, %dma_start3A_233, %dma_start3A_234] : memref<4x128x64xf32, #tpu.memory_space<vmem>> -> memref<1x128x64xf32, #tpu.memory_space<vmem>>
        %dma_start3A_236 = tpu.memref_squeeze %dma_start3A_235 : memref<1x128x64xf32, #tpu.memory_space<vmem>> -> memref<128x64xf32, #tpu.memory_space<vmem>>
        %dma_start3A_237 = arith.constant 0 : i32
        %dma_start3A_238 = tpu.memref_slice %arg8[%add3A_204, %dma_start3A_237] : memref<80x128xi32, #tpu.memory_space<vmem>> -> memref<1x128xi32, #tpu.memory_space<vmem>>
        %dma_start3A_239 = tpu.memref_squeeze %dma_start3A_238 : memref<1x128xi32, #tpu.memory_space<vmem>> -> memref<128xi32, #tpu.memory_space<vmem>>
        %dma_start3A_240 = arith.constant 0 : i32
        %dma_start3A_241 = arith.constant 0 : i32
        %dma_start3A_242 = tpu.memref_slice %arg10[%dma_start3A_240, %dma_start3A_241] : memref<10112x64xf32, #tpu.memory_space<vmem_shared>> -> memref<10112x64xf32, #tpu.memory_space<vmem_shared>>
        tpu.enqueue_indirect_dma source(%dma_start3A_236 : memref<128x64xf32, #tpu.memory_space<vmem>>) target(%dma_start3A_242 : memref<10112x64xf32, #tpu.memory_space<vmem_shared>>) offsets(%dma_start3A_239 : memref<128xi32, #tpu.memory_space<vmem>>) semaphore(%run_scoped3A_232 : memref<!tpu.dma_semaphore, #tpu.memory_space<semaphore_mem>>) {add = true}
        %dma_wait3A_243 = arith.constant 0 : i32
        %dma_wait3A_244 = arith.constant 0 : i32
        %dma_wait3A_245 = tpu.memref_slice %arg9[%run_scoped3A_216, %dma_wait3A_243, %dma_wait3A_244] : memref<4x128x64xf32, #tpu.memory_space<vmem>> -> memref<1x128x64xf32, #tpu.memory_space<vmem>>
        %dma_wait3A_246 = tpu.memref_squeeze %dma_wait3A_245 : memref<1x128x64xf32, #tpu.memory_space<vmem>> -> memref<128x64xf32, #tpu.memory_space<vmem>>
        %dma_wait3A_247 = arith.constant 0 : i32
        %dma_wait3A_248 = tpu.memref_slice %arg8[%add3A_204, %dma_wait3A_247] : memref<80x128xi32, #tpu.memory_space<vmem>> -> memref<1x128xi32, #tpu.memory_space<vmem>>
        %dma_wait3A_249 = tpu.memref_squeeze %dma_wait3A_248 : memref<1x128xi32, #tpu.memory_space<vmem>> -> memref<128xi32, #tpu.memory_space<vmem>>
        %dma_wait3A_250 = arith.constant 0 : i32
        %dma_wait3A_251 = arith.constant 0 : i32
        %dma_wait3A_252 = tpu.memref_slice %arg10[%dma_wait3A_250, %dma_wait3A_251] : memref<10112x64xf32, #tpu.memory_space<vmem_shared>> -> memref<10112x64xf32, #tpu.memory_space<vmem_shared>>
        tpu.wait_indirect_dma semaphore(%run_scoped3A_232 : memref<!tpu.dma_semaphore, #tpu.memory_space<semaphore_mem>>) src(%dma_wait3A_246 : memref<128x64xf32, #tpu.memory_space<vmem>>) dst(%dma_wait3A_252 : memref<10112x64xf32, #tpu.memory_space<vmem_shared>>)
        tpu.yield
      }) : () -> ()
      %add3A_217 = arith.constant 4 : i32
      %add3A_218 = arith.addi %add3A_204, %add3A_217 : i32
      %rem3A_219 = arith.constant 80 : i32
      %rem3A_220 = arith.remsi %add3A_218, %rem3A_219 : i32
      %dma_start3A_221 = arith.constant 3 : i32
      %dma_start3A_222 = arith.constant 0 : i32
      %dma_start3A_223 = arith.constant 0 : i32
      %dma_start3A_224 = tpu.memref_slice %arg9[%dma_start3A_221, %dma_start3A_222, %dma_start3A_223] : memref<4x128x64xf32, #tpu.memory_space<vmem>> -> memref<1x128x64xf32, #tpu.memory_space<vmem>>
      %dma_start3A_225 = tpu.memref_squeeze %dma_start3A_224 : memref<1x128x64xf32, #tpu.memory_space<vmem>> -> memref<128x64xf32, #tpu.memory_space<vmem>>
      %dma_start3A_226 = arith.constant 0 : i32
      %dma_start3A_227 = tpu.memref_slice %arg7[%rem3A_220, %dma_start3A_226] : memref<80x128xi32, #tpu.memory_space<vmem>> -> memref<1x128xi32, #tpu.memory_space<vmem>>
      %dma_start3A_228 = tpu.memref_squeeze %dma_start3A_227 : memref<1x128xi32, #tpu.memory_space<vmem>> -> memref<128xi32, #tpu.memory_space<vmem>>
      %dma_start3A_229 = arith.constant 0 : i32
      %dma_start3A_230 = arith.constant 0 : i32
      %dma_start3A_231 = tpu.memref_slice %arg2[%dma_start3A_229, %dma_start3A_230] : memref<10000x64xf32, #tpu.memory_space<hbm>> -> memref<10000x64xf32, #tpu.memory_space<hbm>>
      tpu.enqueue_indirect_dma source(%dma_start3A_231 : memref<10000x64xf32, #tpu.memory_space<hbm>>) target(%dma_start3A_225 : memref<128x64xf32, #tpu.memory_space<vmem>>) offsets(%dma_start3A_228 : memref<128xi32, #tpu.memory_space<vmem>>) semaphore(%arg14 : memref<!tpu.dma_semaphore, #tpu.memory_space<semaphore_mem>>)
    }
    %scan3A_60 = arith.constant 20 : i32
    %dma_wait3A = arith.constant 0 : i32
    %dma_wait3A_61 = arith.constant 0 : i32
    %dma_wait3A_62 = arith.constant 0 : i32
    %dma_wait3A_63 = arith.constant 0 : i32
    %dma_wait3A_64 = tpu.memref_slice %arg9[%dma_wait3A_61, %dma_wait3A_62, %dma_wait3A_63] : memref<4x128x64xf32, #tpu.memory_space<vmem>> -> memref<1x128x64xf32, #tpu.memory_space<vmem>>
    %dma_wait3A_65 = tpu.memref_squeeze %dma_wait3A_64 : memref<1x128x64xf32, #tpu.memory_space<vmem>> -> memref<128x64xf32, #tpu.memory_space<vmem>>
    %dma_wait3A_66 = arith.constant 0 : i32
    %dma_wait3A_67 = tpu.memref_slice %arg7[%dma_wait3A, %dma_wait3A_66] : memref<80x128xi32, #tpu.memory_space<vmem>> -> memref<1x128xi32, #tpu.memory_space<vmem>>
    %dma_wait3A_68 = tpu.memref_squeeze %dma_wait3A_67 : memref<1x128xi32, #tpu.memory_space<vmem>> -> memref<128xi32, #tpu.memory_space<vmem>>
    %dma_wait3A_69 = arith.constant 0 : i32
    %dma_wait3A_70 = arith.constant 0 : i32
    %dma_wait3A_71 = tpu.memref_slice %arg2[%dma_wait3A_69, %dma_wait3A_70] : memref<10000x64xf32, #tpu.memory_space<hbm>> -> memref<10000x64xf32, #tpu.memory_space<hbm>>
    tpu.wait_indirect_dma semaphore(%arg11 : memref<!tpu.dma_semaphore, #tpu.memory_space<semaphore_mem>>) src(%dma_wait3A_71 : memref<10000x64xf32, #tpu.memory_space<hbm>>) dst(%dma_wait3A_65 : memref<128x64xf32, #tpu.memory_space<vmem>>)
    %dma_wait3A_72 = arith.constant 1 : i32
    %dma_wait3A_73 = arith.constant 1 : i32
    %dma_wait3A_74 = arith.constant 0 : i32
    %dma_wait3A_75 = arith.constant 0 : i32
    %dma_wait3A_76 = tpu.memref_slice %arg9[%dma_wait3A_73, %dma_wait3A_74, %dma_wait3A_75] : memref<4x128x64xf32, #tpu.memory_space<vmem>> -> memref<1x128x64xf32, #tpu.memory_space<vmem>>
    %dma_wait3A_77 = tpu.memref_squeeze %dma_wait3A_76 : memref<1x128x64xf32, #tpu.memory_space<vmem>> -> memref<128x64xf32, #tpu.memory_space<vmem>>
    %dma_wait3A_78 = arith.constant 0 : i32
    %dma_wait3A_79 = tpu.memref_slice %arg7[%dma_wait3A_72, %dma_wait3A_78] : memref<80x128xi32, #tpu.memory_space<vmem>> -> memref<1x128xi32, #tpu.memory_space<vmem>>
    %dma_wait3A_80 = tpu.memref_squeeze %dma_wait3A_79 : memref<1x128xi32, #tpu.memory_space<vmem>> -> memref<128xi32, #tpu.memory_space<vmem>>
    %dma_wait3A_81 = arith.constant 0 : i32
    %dma_wait3A_82 = arith.constant 0 : i32
    %dma_wait3A_83 = tpu.memref_slice %arg2[%dma_wait3A_81, %dma_wait3A_82] : memref<10000x64xf32, #tpu.memory_space<hbm>> -> memref<10000x64xf32, #tpu.memory_space<hbm>>
    tpu.wait_indirect_dma semaphore(%arg12 : memref<!tpu.dma_semaphore, #tpu.memory_space<semaphore_mem>>) src(%dma_wait3A_83 : memref<10000x64xf32, #tpu.memory_space<hbm>>) dst(%dma_wait3A_77 : memref<128x64xf32, #tpu.memory_space<vmem>>)
    %dma_wait3A_84 = arith.constant 2 : i32
    %dma_wait3A_85 = arith.constant 2 : i32
    %dma_wait3A_86 = arith.constant 0 : i32
    %dma_wait3A_87 = arith.constant 0 : i32
    %dma_wait3A_88 = tpu.memref_slice %arg9[%dma_wait3A_85, %dma_wait3A_86, %dma_wait3A_87] : memref<4x128x64xf32, #tpu.memory_space<vmem>> -> memref<1x128x64xf32, #tpu.memory_space<vmem>>
    %dma_wait3A_89 = tpu.memref_squeeze %dma_wait3A_88 : memref<1x128x64xf32, #tpu.memory_space<vmem>> -> memref<128x64xf32, #tpu.memory_space<vmem>>
    %dma_wait3A_90 = arith.constant 0 : i32
    %dma_wait3A_91 = tpu.memref_slice %arg7[%dma_wait3A_84, %dma_wait3A_90] : memref<80x128xi32, #tpu.memory_space<vmem>> -> memref<1x128xi32, #tpu.memory_space<vmem>>
    %dma_wait3A_92 = tpu.memref_squeeze %dma_wait3A_91 : memref<1x128xi32, #tpu.memory_space<vmem>> -> memref<128xi32, #tpu.memory_space<vmem>>
    %dma_wait3A_93 = arith.constant 0 : i32
    %dma_wait3A_94 = arith.constant 0 : i32
    %dma_wait3A_95 = tpu.memref_slice %arg2[%dma_wait3A_93, %dma_wait3A_94] : memref<10000x64xf32, #tpu.memory_space<hbm>> -> memref<10000x64xf32, #tpu.memory_space<hbm>>
    tpu.wait_indirect_dma semaphore(%arg13 : memref<!tpu.dma_semaphore, #tpu.memory_space<semaphore_mem>>) src(%dma_wait3A_95 : memref<10000x64xf32, #tpu.memory_space<hbm>>) dst(%dma_wait3A_89 : memref<128x64xf32, #tpu.memory_space<vmem>>)
    %dma_wait3A_96 = arith.constant 3 : i32
    %dma_wait3A_97 = arith.constant 3 : i32
    %dma_wait3A_98 = arith.constant 0 : i32
    %dma_wait3A_99 = arith.constant 0 : i32
    %dma_wait3A_100 = tpu.memref_slice %arg9[%dma_wait3A_97, %dma_wait3A_98, %dma_wait3A_99] : memref<4x128x64xf32, #tpu.memory_space<vmem>> -> memref<1x128x64xf32, #tpu.memory_space<vmem>>
    %dma_wait3A_101 = tpu.memref_squeeze %dma_wait3A_100 : memref<1x128x64xf32, #tpu.memory_space<vmem>> -> memref<128x64xf32, #tpu.memory_space<vmem>>
    %dma_wait3A_102 = arith.constant 0 : i32
    %dma_wait3A_103 = tpu.memref_slice %arg7[%dma_wait3A_96, %dma_wait3A_102] : memref<80x128xi32, #tpu.memory_space<vmem>> -> memref<1x128xi32, #tpu.memory_space<vmem>>
    %dma_wait3A_104 = tpu.memref_squeeze %dma_wait3A_103 : memref<1x128xi32, #tpu.memory_space<vmem>> -> memref<128xi32, #tpu.memory_space<vmem>>
    %dma_wait3A_105 = arith.constant 0 : i32
    %dma_wait3A_106 = arith.constant 0 : i32
    %dma_wait3A_107 = tpu.memref_slice %arg2[%dma_wait3A_105, %dma_wait3A_106] : memref<10000x64xf32, #tpu.memory_space<hbm>> -> memref<10000x64xf32, #tpu.memory_space<hbm>>
    tpu.wait_indirect_dma semaphore(%arg14 : memref<!tpu.dma_semaphore, #tpu.memory_space<semaphore_mem>>) src(%dma_wait3A_107 : memref<10000x64xf32, #tpu.memory_space<hbm>>) dst(%dma_wait3A_101 : memref<128x64xf32, #tpu.memory_space<vmem>>)
    %barrier3A_108 = arith.constant 0 : index
    tpu.barrier barrier_id(%barrier3A_108)
    %lt3A = arith.constant 15 : i32
    %lt3A_109 = arith.cmpi slt, %arg1, %lt3A : i32
    %convert_element_type3A = arith.extui %lt3A_109 : i1 to i32
    %cond3A = arith.constant 0 : i32
    %cond3A_110 = arith.cmpi ne, %convert_element_type3A, %cond3A : i32
    scf.if %cond3A_110 {
      %mul3A_115 = arith.constant 632 : i32
      %mul3A_116 = arith.muli %arg1, %mul3A_115 : i32
      %mul3A_117 = arith.constant 10000 : i32
      %mul3A_118 = arith.muli %arg0, %mul3A_117 : i32
      %mul3A_119 = arith.constant 632 : i32
      %mul3A_120 = arith.muli %arg1, %mul3A_119 : i32
      %add3A_121 = arith.addi %mul3A_118, %mul3A_120 : i32
      "tpu.region"() ({
        %run_scoped3A = tpu.sem_alloc : memref<!tpu.dma_semaphore, #tpu.memory_space<semaphore_mem>>
        %dma_start3A_122 = arith.constant 0 : i32
        %dma_start3A_123 = tpu.memref_slice %arg6[%add3A_121, %dma_start3A_122] : memref<20000x64xf32, #tpu.memory_space<hbm>> -> memref<632x64xf32, #tpu.memory_space<hbm>>
        %dma_start3A_124 = arith.constant 0 : i32
        %dma_start3A_125 = tpu.memref_slice %arg10[%mul3A_116, %dma_start3A_124] : memref<10112x64xf32, #tpu.memory_space<vmem_shared>> -> memref<632x64xf32, #tpu.memory_space<vmem_shared>>
        tpu.enqueue_dma source(%dma_start3A_125 : memref<632x64xf32, #tpu.memory_space<vmem_shared>>) target(%dma_start3A_123 : memref<632x64xf32, #tpu.memory_space<hbm>>) target_semaphore(%run_scoped3A : memref<!tpu.dma_semaphore, #tpu.memory_space<semaphore_mem>>)
        %dma_wait3A_126 = arith.constant 0 : i32
        %dma_wait3A_127 = tpu.memref_slice %arg6[%add3A_121, %dma_wait3A_126] : memref<20000x64xf32, #tpu.memory_space<hbm>> -> memref<632x64xf32, #tpu.memory_space<hbm>>
        %dma_wait3A_128 = arith.constant 0 : i32
        %dma_wait3A_129 = tpu.memref_slice %arg10[%mul3A_116, %dma_wait3A_128] : memref<10112x64xf32, #tpu.memory_space<vmem_shared>> -> memref<632x64xf32, #tpu.memory_space<vmem_shared>>
        tpu.wait_dma2 semaphore(%run_scoped3A : memref<!tpu.dma_semaphore, #tpu.memory_space<semaphore_mem>>) src(%dma_wait3A_129 : memref<632x64xf32, #tpu.memory_space<vmem_shared>>) dst(%dma_wait3A_127 : memref<632x64xf32, #tpu.memory_space<hbm>>)
        tpu.yield
      }) : () -> ()
    } else {
    }
    %eq3A = arith.constant 15 : i32
    %eq3A_111 = arith.cmpi eq, %arg1, %eq3A : i32
    %convert_element_type3A_112 = arith.extui %eq3A_111 : i1 to i32
    %cond3A_113 = arith.constant 0 : i32
    %cond3A_114 = arith.cmpi ne, %convert_element_type3A_112, %cond3A_113 : i32
    scf.if %cond3A_114 {
      %mul3A_115 = arith.constant 10000 : i32
      %mul3A_116 = arith.muli %arg0, %mul3A_115 : i32
      %add3A_117 = arith.constant 9480 : i32
      %add3A_118 = arith.addi %mul3A_116, %add3A_117 : i32
      "tpu.region"() ({
        %run_scoped3A = tpu.sem_alloc : memref<!tpu.dma_semaphore, #tpu.memory_space<semaphore_mem>>
        %dma_start3A_119 = arith.constant 0 : i32
        %dma_start3A_120 = tpu.memref_slice %arg6[%add3A_118, %dma_start3A_119] : memref<20000x64xf32, #tpu.memory_space<hbm>> -> memref<520x64xf32, #tpu.memory_space<hbm>>
        %dma_start3A_121 = arith.constant 9480 : i32
        %dma_start3A_122 = arith.constant 0 : i32
        %dma_start3A_123 = tpu.memref_slice %arg10[%dma_start3A_121, %dma_start3A_122] : memref<10112x64xf32, #tpu.memory_space<vmem_shared>> -> memref<520x64xf32, #tpu.memory_space<vmem_shared>>
        tpu.enqueue_dma source(%dma_start3A_123 : memref<520x64xf32, #tpu.memory_space<vmem_shared>>) target(%dma_start3A_120 : memref<520x64xf32, #tpu.memory_space<hbm>>) target_semaphore(%run_scoped3A : memref<!tpu.dma_semaphore, #tpu.memory_space<semaphore_mem>>)
        %dma_wait3A_124 = arith.constant 0 : i32
        %dma_wait3A_125 = tpu.memref_slice %arg6[%add3A_118, %dma_wait3A_124] : memref<20000x64xf32, #tpu.memory_space<hbm>> -> memref<520x64xf32, #tpu.memory_space<hbm>>
        %dma_wait3A_126 = arith.constant 9480 : i32
        %dma_wait3A_127 = arith.constant 0 : i32
        %dma_wait3A_128 = tpu.memref_slice %arg10[%dma_wait3A_126, %dma_wait3A_127] : memref<10112x64xf32, #tpu.memory_space<vmem_shared>> -> memref<520x64xf32, #tpu.memory_space<vmem_shared>>
        tpu.wait_dma2 semaphore(%run_scoped3A : memref<!tpu.dma_semaphore, #tpu.memory_space<semaphore_mem>>) src(%dma_wait3A_128 : memref<520x64xf32, #tpu.memory_space<vmem_shared>>) dst(%dma_wait3A_125 : memref<520x64xf32, #tpu.memory_space<hbm>>)
        tpu.yield
      }) : () -> ()
    } else {
    }
    return
  }
}

#map = affine_map<(d0, d1) -> (0, 0)>
module attributes {stable_mosaic.version = 14 : i64} {
  func.func @segsum(%arg0: i32, %arg1: i32, %arg2: memref<10000x64xf32, #tpu.memory_space<hbm>>, %arg3: memref<2560x128xi32, #tpu.memory_space<hbm>>, %arg4: memref<2560x128xi32, #tpu.memory_space<hbm>>, %arg5: memref<10112x64xf32, #tpu.memory_space<hbm>>, %arg6: memref<20000x64xf32, #tpu.memory_space<hbm>>, %arg7: memref<80x128xi32, #tpu.memory_space<vmem>>, %arg8: memref<80x128xi32, #tpu.memory_space<vmem>>, %arg9: memref<4x128x64xf32, #tpu.memory_space<vmem>>, %arg10: memref<10112x64xf32, #tpu.memory_space<vmem_shared>>, %arg11: memref<!tpu.dma_semaphore, #tpu.memory_space<semaphore_mem>>, %arg12: memref<!tpu.dma_semaphore, #tpu.memory_space<semaphore_mem>>, %arg13: memref<!tpu.dma_semaphore, #tpu.memory_space<semaphore_mem>>, %arg14: memref<!tpu.dma_semaphore, #tpu.memory_space<semaphore_mem>>) attributes {dimension_semantics = [#tpu.dimension_semantics<core_parallel>, #tpu.dimension_semantics<subcore_parallel>], iteration_bounds = array<i64: 2, 16>, scalar_prefetch = 0 : i64, scratch_operands = 8 : i64, tpu.core_type = #tpu.core_type<sc_vector_subcore>, window_params = [{transform_indices = #map}, {transform_indices = #map}, {transform_indices = #map}, {transform_indices = #map}, {transform_indices = #map}]} {
    %mul3A = arith.constant 2 : i32
    %mul3A_0 = arith.muli %arg1, %mul3A : i32
    %add3A = arith.addi %mul3A_0, %arg0 : i32
    %mul3A_1 = arith.constant 632 : i32
    %mul3A_2 = arith.muli %arg1, %mul3A_1 : i32
    %mul3A_3 = arith.constant 632 : i32
    %mul3A_4 = arith.muli %arg1, %mul3A_3 : i32
    "tpu.region"() ({
      %run_scoped3A = tpu.sem_alloc : memref<!tpu.dma_semaphore, #tpu.memory_space<semaphore_mem>>
      %dma_start3A_115 = arith.constant 0 : i32
      %dma_start3A_116 = tpu.memref_slice %arg10[%mul3A_4, %dma_start3A_115] : memref<10112x64xf32, #tpu.memory_space<vmem_shared>> -> memref<632x64xf32, #tpu.memory_space<vmem_shared>>
      %dma_start3A_117 = arith.constant 0 : i32
      %dma_start3A_118 = tpu.memref_slice %arg5[%mul3A_2, %dma_start3A_117] : memref<10112x64xf32, #tpu.memory_space<hbm>> -> memref<632x64xf32, #tpu.memory_space<hbm>>
      tpu.enqueue_dma source(%dma_start3A_118 : memref<632x64xf32, #tpu.memory_space<hbm>>) target(%dma_start3A_116 : memref<632x64xf32, #tpu.memory_space<vmem_shared>>) target_semaphore(%run_scoped3A : memref<!tpu.dma_semaphore, #tpu.memory_space<semaphore_mem>>)
      %dma_wait3A_119 = arith.constant 0 : i32
      %dma_wait3A_120 = tpu.memref_slice %arg10[%mul3A_4, %dma_wait3A_119] : memref<10112x64xf32, #tpu.memory_space<vmem_shared>> -> memref<632x64xf32, #tpu.memory_space<vmem_shared>>
      %dma_wait3A_121 = arith.constant 0 : i32
      %dma_wait3A_122 = tpu.memref_slice %arg5[%mul3A_2, %dma_wait3A_121] : memref<10112x64xf32, #tpu.memory_space<hbm>> -> memref<632x64xf32, #tpu.memory_space<hbm>>
      tpu.wait_dma2 semaphore(%run_scoped3A : memref<!tpu.dma_semaphore, #tpu.memory_space<semaphore_mem>>) src(%dma_wait3A_122 : memref<632x64xf32, #tpu.memory_space<hbm>>) dst(%dma_wait3A_120 : memref<632x64xf32, #tpu.memory_space<vmem_shared>>)
      tpu.yield
    }) : () -> ()
    %mul3A_5 = arith.constant 80 : i32
    %mul3A_6 = arith.muli %add3A, %mul3A_5 : i32
    "tpu.region"() ({
      %run_scoped3A = tpu.sem_alloc : memref<!tpu.dma_semaphore, #tpu.memory_space<semaphore_mem>>
      %dma_start3A_115 = arith.constant 0 : i32
      %dma_start3A_116 = tpu.memref_slice %arg3[%mul3A_6, %dma_start3A_115] : memref<2560x128xi32, #tpu.memory_space<hbm>> -> memref<80x128xi32, #tpu.memory_space<hbm>>
      %dma_start3A_117 = arith.constant 0 : i32
      %dma_start3A_118 = tpu.memref_slice %arg3[%mul3A_6, %dma_start3A_117] : memref<2560x128xi32, #tpu.memory_space<hbm>> -> memref<80x128xi32, #tpu.memory_space<hbm>>
      tpu.enqueue_dma source(%dma_start3A_118 : memref<80x128xi32, #tpu.memory_space<hbm>>) target(%arg7 : memref<80x128xi32, #tpu.memory_space<vmem>>) target_semaphore(%run_scoped3A : memref<!tpu.dma_semaphore, #tpu.memory_space<semaphore_mem>>)
      %dma_wait3A_119 = arith.constant 0 : i32
      %dma_wait3A_120 = tpu.memref_slice %arg3[%mul3A_6, %dma_wait3A_119] : memref<2560x128xi32, #tpu.memory_space<hbm>> -> memref<80x128xi32, #tpu.memory_space<hbm>>
      %dma_wait3A_121 = arith.constant 0 : i32
      %dma_wait3A_122 = tpu.memref_slice %arg3[%mul3A_6, %dma_wait3A_121] : memref<2560x128xi32, #tpu.memory_space<hbm>> -> memref<80x128xi32, #tpu.memory_space<hbm>>
      tpu.wait_dma2 semaphore(%run_scoped3A : memref<!tpu.dma_semaphore, #tpu.memory_space<semaphore_mem>>) src(%dma_wait3A_122 : memref<80x128xi32, #tpu.memory_space<hbm>>) dst(%arg7 : memref<80x128xi32, #tpu.memory_space<vmem>>)
      tpu.yield
    }) : () -> ()
    %mul3A_7 = arith.constant 80 : i32
    %mul3A_8 = arith.muli %add3A, %mul3A_7 : i32
    "tpu.region"() ({
      %run_scoped3A = tpu.sem_alloc : memref<!tpu.dma_semaphore, #tpu.memory_space<semaphore_mem>>
      %dma_start3A_115 = arith.constant 0 : i32
      %dma_start3A_116 = tpu.memref_slice %arg4[%mul3A_8, %dma_start3A_115] : memref<2560x128xi32, #tpu.memory_space<hbm>> -> memref<80x128xi32, #tpu.memory_space<hbm>>
      %dma_start3A_117 = arith.constant 0 : i32
      %dma_start3A_118 = tpu.memref_slice %arg4[%mul3A_8, %dma_start3A_117] : memref<2560x128xi32, #tpu.memory_space<hbm>> -> memref<80x128xi32, #tpu.memory_space<hbm>>
      tpu.enqueue_dma source(%dma_start3A_118 : memref<80x128xi32, #tpu.memory_space<hbm>>) target(%arg8 : memref<80x128xi32, #tpu.memory_space<vmem>>) target_semaphore(%run_scoped3A : memref<!tpu.dma_semaphore, #tpu.memory_space<semaphore_mem>>)
      %dma_wait3A_119 = arith.constant 0 : i32
      %dma_wait3A_120 = tpu.memref_slice %arg4[%mul3A_8, %dma_wait3A_119] : memref<2560x128xi32, #tpu.memory_space<hbm>> -> memref<80x128xi32, #tpu.memory_space<hbm>>
      %dma_wait3A_121 = arith.constant 0 : i32
      %dma_wait3A_122 = tpu.memref_slice %arg4[%mul3A_8, %dma_wait3A_121] : memref<2560x128xi32, #tpu.memory_space<hbm>> -> memref<80x128xi32, #tpu.memory_space<hbm>>
      tpu.wait_dma2 semaphore(%run_scoped3A : memref<!tpu.dma_semaphore, #tpu.memory_space<semaphore_mem>>) src(%dma_wait3A_122 : memref<80x128xi32, #tpu.memory_space<hbm>>) dst(%arg8 : memref<80x128xi32, #tpu.memory_space<vmem>>)
      tpu.yield
    }) : () -> ()
    %barrier3A = arith.constant 0 : index
    tpu.barrier barrier_id(%barrier3A)
    %dma_start3A = arith.constant 0 : i32
    %dma_start3A_9 = arith.constant 0 : i32
    %dma_start3A_10 = arith.constant 0 : i32
    %dma_start3A_11 = arith.constant 0 : i32
    %dma_start3A_12 = tpu.memref_slice %arg9[%dma_start3A_9, %dma_start3A_10, %dma_start3A_11] : memref<4x128x64xf32, #tpu.memory_space<vmem>> -> memref<1x128x64xf32, #tpu.memory_space<vmem>>
    %dma_start3A_13 = tpu.memref_squeeze %dma_start3A_12 : memref<1x128x64xf32, #tpu.memory_space<vmem>> -> memref<128x64xf32, #tpu.memory_space<vmem>>
    %dma_start3A_14 = arith.constant 0 : i32
    %dma_start3A_15 = tpu.memref_slice %arg7[%dma_start3A, %dma_start3A_14] : memref<80x128xi32, #tpu.memory_space<vmem>> -> memref<1x128xi32, #tpu.memory_space<vmem>>
    %dma_start3A_16 = tpu.memref_squeeze %dma_start3A_15 : memref<1x128xi32, #tpu.memory_space<vmem>> -> memref<128xi32, #tpu.memory_space<vmem>>
    %dma_start3A_17 = arith.constant 0 : i32
    %dma_start3A_18 = arith.constant 0 : i32
    %dma_start3A_19 = tpu.memref_slice %arg2[%dma_start3A_17, %dma_start3A_18] : memref<10000x64xf32, #tpu.memory_space<hbm>> -> memref<10000x64xf32, #tpu.memory_space<hbm>>
    tpu.enqueue_indirect_dma source(%dma_start3A_19 : memref<10000x64xf32, #tpu.memory_space<hbm>>) target(%dma_start3A_13 : memref<128x64xf32, #tpu.memory_space<vmem>>) offsets(%dma_start3A_16 : memref<128xi32, #tpu.memory_space<vmem>>) semaphore(%arg11 : memref<!tpu.dma_semaphore, #tpu.memory_space<semaphore_mem>>)
    %dma_start3A_20 = arith.constant 1 : i32
    %dma_start3A_21 = arith.constant 1 : i32
    %dma_start3A_22 = arith.constant 0 : i32
    %dma_start3A_23 = arith.constant 0 : i32
    %dma_start3A_24 = tpu.memref_slice %arg9[%dma_start3A_21, %dma_start3A_22, %dma_start3A_23] : memref<4x128x64xf32, #tpu.memory_space<vmem>> -> memref<1x128x64xf32, #tpu.memory_space<vmem>>
    %dma_start3A_25 = tpu.memref_squeeze %dma_start3A_24 : memref<1x128x64xf32, #tpu.memory_space<vmem>> -> memref<128x64xf32, #tpu.memory_space<vmem>>
    %dma_start3A_26 = arith.constant 0 : i32
    %dma_start3A_27 = tpu.memref_slice %arg7[%dma_start3A_20, %dma_start3A_26] : memref<80x128xi32, #tpu.memory_space<vmem>> -> memref<1x128xi32, #tpu.memory_space<vmem>>
    %dma_start3A_28 = tpu.memref_squeeze %dma_start3A_27 : memref<1x128xi32, #tpu.memory_space<vmem>> -> memref<128xi32, #tpu.memory_space<vmem>>
    %dma_start3A_29 = arith.constant 0 : i32
    %dma_start3A_30 = arith.constant 0 : i32
    %dma_start3A_31 = tpu.memref_slice %arg2[%dma_start3A_29, %dma_start3A_30] : memref<10000x64xf32, #tpu.memory_space<hbm>> -> memref<10000x64xf32, #tpu.memory_space<hbm>>
    tpu.enqueue_indirect_dma source(%dma_start3A_31 : memref<10000x64xf32, #tpu.memory_space<hbm>>) target(%dma_start3A_25 : memref<128x64xf32, #tpu.memory_space<vmem>>) offsets(%dma_start3A_28 : memref<128xi32, #tpu.memory_space<vmem>>) semaphore(%arg12 : memref<!tpu.dma_semaphore, #tpu.memory_space<semaphore_mem>>)
    %dma_start3A_32 = arith.constant 2 : i32
    %dma_start3A_33 = arith.constant 2 : i32
    %dma_start3A_34 = arith.constant 0 : i32
    %dma_start3A_35 = arith.constant 0 : i32
    %dma_start3A_36 = tpu.memref_slice %arg9[%dma_start3A_33, %dma_start3A_34, %dma_start3A_35] : memref<4x128x64xf32, #tpu.memory_space<vmem>> -> memref<1x128x64xf32, #tpu.memory_space<vmem>>
    %dma_start3A_37 = tpu.memref_squeeze %dma_start3A_36 : memref<1x128x64xf32, #tpu.memory_space<vmem>> -> memref<128x64xf32, #tpu.memory_space<vmem>>
    %dma_start3A_38 = arith.constant 0 : i32
    %dma_start3A_39 = tpu.memref_slice %arg7[%dma_start3A_32, %dma_start3A_38] : memref<80x128xi32, #tpu.memory_space<vmem>> -> memref<1x128xi32, #tpu.memory_space<vmem>>
    %dma_start3A_40 = tpu.memref_squeeze %dma_start3A_39 : memref<1x128xi32, #tpu.memory_space<vmem>> -> memref<128xi32, #tpu.memory_space<vmem>>
    %dma_start3A_41 = arith.constant 0 : i32
    %dma_start3A_42 = arith.constant 0 : i32
    %dma_start3A_43 = tpu.memref_slice %arg2[%dma_start3A_41, %dma_start3A_42] : memref<10000x64xf32, #tpu.memory_space<hbm>> -> memref<10000x64xf32, #tpu.memory_space<hbm>>
    tpu.enqueue_indirect_dma source(%dma_start3A_43 : memref<10000x64xf32, #tpu.memory_space<hbm>>) target(%dma_start3A_37 : memref<128x64xf32, #tpu.memory_space<vmem>>) offsets(%dma_start3A_40 : memref<128xi32, #tpu.memory_space<vmem>>) semaphore(%arg13 : memref<!tpu.dma_semaphore, #tpu.memory_space<semaphore_mem>>)
    %dma_start3A_44 = arith.constant 3 : i32
    %dma_start3A_45 = arith.constant 3 : i32
    %dma_start3A_46 = arith.constant 0 : i32
    %dma_start3A_47 = arith.constant 0 : i32
    %dma_start3A_48 = tpu.memref_slice %arg9[%dma_start3A_45, %dma_start3A_46, %dma_start3A_47] : memref<4x128x64xf32, #tpu.memory_space<vmem>> -> memref<1x128x64xf32, #tpu.memory_space<vmem>>
    %dma_start3A_49 = tpu.memref_squeeze %dma_start3A_48 : memref<1x128x64xf32, #tpu.memory_space<vmem>> -> memref<128x64xf32, #tpu.memory_space<vmem>>
    %dma_start3A_50 = arith.constant 0 : i32
    %dma_start3A_51 = tpu.memref_slice %arg7[%dma_start3A_44, %dma_start3A_50] : memref<80x128xi32, #tpu.memory_space<vmem>> -> memref<1x128xi32, #tpu.memory_space<vmem>>
    %dma_start3A_52 = tpu.memref_squeeze %dma_start3A_51 : memref<1x128xi32, #tpu.memory_space<vmem>> -> memref<128xi32, #tpu.memory_space<vmem>>
    %dma_start3A_53 = arith.constant 0 : i32
    %dma_start3A_54 = arith.constant 0 : i32
    %dma_start3A_55 = tpu.memref_slice %arg2[%dma_start3A_53, %dma_start3A_54] : memref<10000x64xf32, #tpu.memory_space<hbm>> -> memref<10000x64xf32, #tpu.memory_space<hbm>>
    tpu.enqueue_indirect_dma source(%dma_start3A_55 : memref<10000x64xf32, #tpu.memory_space<hbm>>) target(%dma_start3A_49 : memref<128x64xf32, #tpu.memory_space<vmem>>) offsets(%dma_start3A_52 : memref<128xi32, #tpu.memory_space<vmem>>) semaphore(%arg14 : memref<!tpu.dma_semaphore, #tpu.memory_space<semaphore_mem>>)
    %scan3A = arith.constant 0 : i32
    %scan3A_56 = arith.constant 0 : i32
    %scan3A_57 = arith.constant 20 : i32
    %scan3A_58 = arith.addi %scan3A_56, %scan3A_57 : i32
    %scan3A_59 = arith.constant 1 : i32
    scf.for %scan3A_115 = %scan3A_56 to %scan3A_58 step %scan3A_59  : i32 {
      %mul3A_116 = arith.constant 4 : i32
      %mul3A_117 = arith.muli %mul3A_116, %scan3A_115 : i32
      %add3A_118 = arith.constant 0 : i32
      %add3A_119 = arith.addi %mul3A_117, %add3A_118 : i32
      %dma_wait3A_120 = arith.constant 0 : i32
      %dma_wait3A_121 = arith.constant 0 : i32
      %dma_wait3A_122 = arith.constant 0 : i32
      %dma_wait3A_123 = tpu.memref_slice %arg9[%dma_wait3A_120, %dma_wait3A_121, %dma_wait3A_122] : memref<4x128x64xf32, #tpu.memory_space<vmem>> -> memref<1x128x64xf32, #tpu.memory_space<vmem>>
      %dma_wait3A_124 = tpu.memref_squeeze %dma_wait3A_123 : memref<1x128x64xf32, #tpu.memory_space<vmem>> -> memref<128x64xf32, #tpu.memory_space<vmem>>
      %dma_wait3A_125 = arith.constant 0 : i32
      %dma_wait3A_126 = tpu.memref_slice %arg7[%add3A_119, %dma_wait3A_125] : memref<80x128xi32, #tpu.memory_space<vmem>> -> memref<1x128xi32, #tpu.memory_space<vmem>>
      %dma_wait3A_127 = tpu.memref_squeeze %dma_wait3A_126 : memref<1x128xi32, #tpu.memory_space<vmem>> -> memref<128xi32, #tpu.memory_space<vmem>>
      %dma_wait3A_128 = arith.constant 0 : i32
      %dma_wait3A_129 = arith.constant 0 : i32
      %dma_wait3A_130 = tpu.memref_slice %arg2[%dma_wait3A_128, %dma_wait3A_129] : memref<10000x64xf32, #tpu.memory_space<hbm>> -> memref<10000x64xf32, #tpu.memory_space<hbm>>
      tpu.wait_indirect_dma semaphore(%arg11 : memref<!tpu.dma_semaphore, #tpu.memory_space<semaphore_mem>>) src(%dma_wait3A_130 : memref<10000x64xf32, #tpu.memory_space<hbm>>) dst(%dma_wait3A_124 : memref<128x64xf32, #tpu.memory_space<vmem>>)
      %run_scoped3A = arith.constant 0 : i32
      "tpu.region"() ({
        %run_scoped3A_232 = tpu.sem_alloc : memref<!tpu.dma_semaphore, #tpu.memory_space<semaphore_mem>>
        %dma_start3A_233 = arith.constant 0 : i32
        %dma_start3A_234 = arith.constant 0 : i32
        %dma_start3A_235 = tpu.memref_slice %arg9[%run_scoped3A, %dma_start3A_233, %dma_start3A_234] : memref<4x128x64xf32, #tpu.memory_space<vmem>> -> memref<1x128x64xf32, #tpu.memory_space<vmem>>
        %dma_start3A_236 = tpu.memref_squeeze %dma_start3A_235 : memref<1x128x64xf32, #tpu.memory_space<vmem>> -> memref<128x64xf32, #tpu.memory_space<vmem>>
        %dma_start3A_237 = arith.constant 0 : i32
        %dma_start3A_238 = tpu.memref_slice %arg8[%add3A_119, %dma_start3A_237] : memref<80x128xi32, #tpu.memory_space<vmem>> -> memref<1x128xi32, #tpu.memory_space<vmem>>
        %dma_start3A_239 = tpu.memref_squeeze %dma_start3A_238 : memref<1x128xi32, #tpu.memory_space<vmem>> -> memref<128xi32, #tpu.memory_space<vmem>>
        %dma_start3A_240 = arith.constant 0 : i32
        %dma_start3A_241 = arith.constant 0 : i32
        %dma_start3A_242 = tpu.memref_slice %arg10[%dma_start3A_240, %dma_start3A_241] : memref<10112x64xf32, #tpu.memory_space<vmem_shared>> -> memref<10112x64xf32, #tpu.memory_space<vmem_shared>>
        tpu.enqueue_indirect_dma source(%dma_start3A_236 : memref<128x64xf32, #tpu.memory_space<vmem>>) target(%dma_start3A_242 : memref<10112x64xf32, #tpu.memory_space<vmem_shared>>) offsets(%dma_start3A_239 : memref<128xi32, #tpu.memory_space<vmem>>) semaphore(%run_scoped3A_232 : memref<!tpu.dma_semaphore, #tpu.memory_space<semaphore_mem>>) {add = true}
        %dma_wait3A_243 = arith.constant 0 : i32
        %dma_wait3A_244 = arith.constant 0 : i32
        %dma_wait3A_245 = tpu.memref_slice %arg9[%run_scoped3A, %dma_wait3A_243, %dma_wait3A_244] : memref<4x128x64xf32, #tpu.memory_space<vmem>> -> memref<1x128x64xf32, #tpu.memory_space<vmem>>
        %dma_wait3A_246 = tpu.memref_squeeze %dma_wait3A_245 : memref<1x128x64xf32, #tpu.memory_space<vmem>> -> memref<128x64xf32, #tpu.memory_space<vmem>>
        %dma_wait3A_247 = arith.constant 0 : i32
        %dma_wait3A_248 = tpu.memref_slice %arg8[%add3A_119, %dma_wait3A_247] : memref<80x128xi32, #tpu.memory_space<vmem>> -> memref<1x128xi32, #tpu.memory_space<vmem>>
        %dma_wait3A_249 = tpu.memref_squeeze %dma_wait3A_248 : memref<1x128xi32, #tpu.memory_space<vmem>> -> memref<128xi32, #tpu.memory_space<vmem>>
        %dma_wait3A_250 = arith.constant 0 : i32
        %dma_wait3A_251 = arith.constant 0 : i32
        %dma_wait3A_252 = tpu.memref_slice %arg10[%dma_wait3A_250, %dma_wait3A_251] : memref<10112x64xf32, #tpu.memory_space<vmem_shared>> -> memref<10112x64xf32, #tpu.memory_space<vmem_shared>>
        tpu.wait_indirect_dma semaphore(%run_scoped3A_232 : memref<!tpu.dma_semaphore, #tpu.memory_space<semaphore_mem>>) src(%dma_wait3A_246 : memref<128x64xf32, #tpu.memory_space<vmem>>) dst(%dma_wait3A_252 : memref<10112x64xf32, #tpu.memory_space<vmem_shared>>)
        tpu.yield
      }) : () -> ()
      %add3A_131 = arith.constant 4 : i32
      %add3A_132 = arith.addi %add3A_119, %add3A_131 : i32
      %rem3A = arith.constant 80 : i32
      %rem3A_133 = arith.remsi %add3A_132, %rem3A : i32
      %dma_start3A_134 = arith.constant 0 : i32
      %dma_start3A_135 = arith.constant 0 : i32
      %dma_start3A_136 = arith.constant 0 : i32
      %dma_start3A_137 = tpu.memref_slice %arg9[%dma_start3A_134, %dma_start3A_135, %dma_start3A_136] : memref<4x128x64xf32, #tpu.memory_space<vmem>> -> memref<1x128x64xf32, #tpu.memory_space<vmem>>
      %dma_start3A_138 = tpu.memref_squeeze %dma_start3A_137 : memref<1x128x64xf32, #tpu.memory_space<vmem>> -> memref<128x64xf32, #tpu.memory_space<vmem>>
      %dma_start3A_139 = arith.constant 0 : i32
      %dma_start3A_140 = tpu.memref_slice %arg7[%rem3A_133, %dma_start3A_139] : memref<80x128xi32, #tpu.memory_space<vmem>> -> memref<1x128xi32, #tpu.memory_space<vmem>>
      %dma_start3A_141 = tpu.memref_squeeze %dma_start3A_140 : memref<1x128xi32, #tpu.memory_space<vmem>> -> memref<128xi32, #tpu.memory_space<vmem>>
      %dma_start3A_142 = arith.constant 0 : i32
      %dma_start3A_143 = arith.constant 0 : i32
      %dma_start3A_144 = tpu.memref_slice %arg2[%dma_start3A_142, %dma_start3A_143] : memref<10000x64xf32, #tpu.memory_space<hbm>> -> memref<10000x64xf32, #tpu.memory_space<hbm>>
      tpu.enqueue_indirect_dma source(%dma_start3A_144 : memref<10000x64xf32, #tpu.memory_space<hbm>>) target(%dma_start3A_138 : memref<128x64xf32, #tpu.memory_space<vmem>>) offsets(%dma_start3A_141 : memref<128xi32, #tpu.memory_space<vmem>>) semaphore(%arg11 : memref<!tpu.dma_semaphore, #tpu.memory_space<semaphore_mem>>)
      %add3A_145 = arith.constant 1 : i32
      %add3A_146 = arith.addi %mul3A_117, %add3A_145 : i32
      %dma_wait3A_147 = arith.constant 1 : i32
      %dma_wait3A_148 = arith.constant 0 : i32
      %dma_wait3A_149 = arith.constant 0 : i32
      %dma_wait3A_150 = tpu.memref_slice %arg9[%dma_wait3A_147, %dma_wait3A_148, %dma_wait3A_149] : memref<4x128x64xf32, #tpu.memory_space<vmem>> -> memref<1x128x64xf32, #tpu.memory_space<vmem>>
      %dma_wait3A_151 = tpu.memref_squeeze %dma_wait3A_150 : memref<1x128x64xf32, #tpu.memory_space<vmem>> -> memref<128x64xf32, #tpu.memory_space<vmem>>
      %dma_wait3A_152 = arith.constant 0 : i32
      %dma_wait3A_153 = tpu.memref_slice %arg7[%add3A_146, %dma_wait3A_152] : memref<80x128xi32, #tpu.memory_space<vmem>> -> memref<1x128xi32, #tpu.memory_space<vmem>>
      %dma_wait3A_154 = tpu.memref_squeeze %dma_wait3A_153 : memref<1x128xi32, #tpu.memory_space<vmem>> -> memref<128xi32, #tpu.memory_space<vmem>>
      %dma_wait3A_155 = arith.constant 0 : i32
      %dma_wait3A_156 = arith.constant 0 : i32
      %dma_wait3A_157 = tpu.memref_slice %arg2[%dma_wait3A_155, %dma_wait3A_156] : memref<10000x64xf32, #tpu.memory_space<hbm>> -> memref<10000x64xf32, #tpu.memory_space<hbm>>
      tpu.wait_indirect_dma semaphore(%arg12 : memref<!tpu.dma_semaphore, #tpu.memory_space<semaphore_mem>>) src(%dma_wait3A_157 : memref<10000x64xf32, #tpu.memory_space<hbm>>) dst(%dma_wait3A_151 : memref<128x64xf32, #tpu.memory_space<vmem>>)
      %run_scoped3A_158 = arith.constant 1 : i32
      "tpu.region"() ({
        %run_scoped3A_232 = tpu.sem_alloc : memref<!tpu.dma_semaphore, #tpu.memory_space<semaphore_mem>>
        %dma_start3A_233 = arith.constant 0 : i32
        %dma_start3A_234 = arith.constant 0 : i32
        %dma_start3A_235 = tpu.memref_slice %arg9[%run_scoped3A_158, %dma_start3A_233, %dma_start3A_234] : memref<4x128x64xf32, #tpu.memory_space<vmem>> -> memref<1x128x64xf32, #tpu.memory_space<vmem>>
        %dma_start3A_236 = tpu.memref_squeeze %dma_start3A_235 : memref<1x128x64xf32, #tpu.memory_space<vmem>> -> memref<128x64xf32, #tpu.memory_space<vmem>>
        %dma_start3A_237 = arith.constant 0 : i32
        %dma_start3A_238 = tpu.memref_slice %arg8[%add3A_146, %dma_start3A_237] : memref<80x128xi32, #tpu.memory_space<vmem>> -> memref<1x128xi32, #tpu.memory_space<vmem>>
        %dma_start3A_239 = tpu.memref_squeeze %dma_start3A_238 : memref<1x128xi32, #tpu.memory_space<vmem>> -> memref<128xi32, #tpu.memory_space<vmem>>
        %dma_start3A_240 = arith.constant 0 : i32
        %dma_start3A_241 = arith.constant 0 : i32
        %dma_start3A_242 = tpu.memref_slice %arg10[%dma_start3A_240, %dma_start3A_241] : memref<10112x64xf32, #tpu.memory_space<vmem_shared>> -> memref<10112x64xf32, #tpu.memory_space<vmem_shared>>
        tpu.enqueue_indirect_dma source(%dma_start3A_236 : memref<128x64xf32, #tpu.memory_space<vmem>>) target(%dma_start3A_242 : memref<10112x64xf32, #tpu.memory_space<vmem_shared>>) offsets(%dma_start3A_239 : memref<128xi32, #tpu.memory_space<vmem>>) semaphore(%run_scoped3A_232 : memref<!tpu.dma_semaphore, #tpu.memory_space<semaphore_mem>>) {add = true}
        %dma_wait3A_243 = arith.constant 0 : i32
        %dma_wait3A_244 = arith.constant 0 : i32
        %dma_wait3A_245 = tpu.memref_slice %arg9[%run_scoped3A_158, %dma_wait3A_243, %dma_wait3A_244] : memref<4x128x64xf32, #tpu.memory_space<vmem>> -> memref<1x128x64xf32, #tpu.memory_space<vmem>>
        %dma_wait3A_246 = tpu.memref_squeeze %dma_wait3A_245 : memref<1x128x64xf32, #tpu.memory_space<vmem>> -> memref<128x64xf32, #tpu.memory_space<vmem>>
        %dma_wait3A_247 = arith.constant 0 : i32
        %dma_wait3A_248 = tpu.memref_slice %arg8[%add3A_146, %dma_wait3A_247] : memref<80x128xi32, #tpu.memory_space<vmem>> -> memref<1x128xi32, #tpu.memory_space<vmem>>
        %dma_wait3A_249 = tpu.memref_squeeze %dma_wait3A_248 : memref<1x128xi32, #tpu.memory_space<vmem>> -> memref<128xi32, #tpu.memory_space<vmem>>
        %dma_wait3A_250 = arith.constant 0 : i32
        %dma_wait3A_251 = arith.constant 0 : i32
        %dma_wait3A_252 = tpu.memref_slice %arg10[%dma_wait3A_250, %dma_wait3A_251] : memref<10112x64xf32, #tpu.memory_space<vmem_shared>> -> memref<10112x64xf32, #tpu.memory_space<vmem_shared>>
        tpu.wait_indirect_dma semaphore(%run_scoped3A_232 : memref<!tpu.dma_semaphore, #tpu.memory_space<semaphore_mem>>) src(%dma_wait3A_246 : memref<128x64xf32, #tpu.memory_space<vmem>>) dst(%dma_wait3A_252 : memref<10112x64xf32, #tpu.memory_space<vmem_shared>>)
        tpu.yield
      }) : () -> ()
      %add3A_159 = arith.constant 4 : i32
      %add3A_160 = arith.addi %add3A_146, %add3A_159 : i32
      %rem3A_161 = arith.constant 80 : i32
      %rem3A_162 = arith.remsi %add3A_160, %rem3A_161 : i32
      %dma_start3A_163 = arith.constant 1 : i32
      %dma_start3A_164 = arith.constant 0 : i32
      %dma_start3A_165 = arith.constant 0 : i32
      %dma_start3A_166 = tpu.memref_slice %arg9[%dma_start3A_163, %dma_start3A_164, %dma_start3A_165] : memref<4x128x64xf32, #tpu.memory_space<vmem>> -> memref<1x128x64xf32, #tpu.memory_space<vmem>>
      %dma_start3A_167 = tpu.memref_squeeze %dma_start3A_166 : memref<1x128x64xf32, #tpu.memory_space<vmem>> -> memref<128x64xf32, #tpu.memory_space<vmem>>
      %dma_start3A_168 = arith.constant 0 : i32
      %dma_start3A_169 = tpu.memref_slice %arg7[%rem3A_162, %dma_start3A_168] : memref<80x128xi32, #tpu.memory_space<vmem>> -> memref<1x128xi32, #tpu.memory_space<vmem>>
      %dma_start3A_170 = tpu.memref_squeeze %dma_start3A_169 : memref<1x128xi32, #tpu.memory_space<vmem>> -> memref<128xi32, #tpu.memory_space<vmem>>
      %dma_start3A_171 = arith.constant 0 : i32
      %dma_start3A_172 = arith.constant 0 : i32
      %dma_start3A_173 = tpu.memref_slice %arg2[%dma_start3A_171, %dma_start3A_172] : memref<10000x64xf32, #tpu.memory_space<hbm>> -> memref<10000x64xf32, #tpu.memory_space<hbm>>
      tpu.enqueue_indirect_dma source(%dma_start3A_173 : memref<10000x64xf32, #tpu.memory_space<hbm>>) target(%dma_start3A_167 : memref<128x64xf32, #tpu.memory_space<vmem>>) offsets(%dma_start3A_170 : memref<128xi32, #tpu.memory_space<vmem>>) semaphore(%arg12 : memref<!tpu.dma_semaphore, #tpu.memory_space<semaphore_mem>>)
      %add3A_174 = arith.constant 2 : i32
      %add3A_175 = arith.addi %mul3A_117, %add3A_174 : i32
      %dma_wait3A_176 = arith.constant 2 : i32
      %dma_wait3A_177 = arith.constant 0 : i32
      %dma_wait3A_178 = arith.constant 0 : i32
      %dma_wait3A_179 = tpu.memref_slice %arg9[%dma_wait3A_176, %dma_wait3A_177, %dma_wait3A_178] : memref<4x128x64xf32, #tpu.memory_space<vmem>> -> memref<1x128x64xf32, #tpu.memory_space<vmem>>
      %dma_wait3A_180 = tpu.memref_squeeze %dma_wait3A_179 : memref<1x128x64xf32, #tpu.memory_space<vmem>> -> memref<128x64xf32, #tpu.memory_space<vmem>>
      %dma_wait3A_181 = arith.constant 0 : i32
      %dma_wait3A_182 = tpu.memref_slice %arg7[%add3A_175, %dma_wait3A_181] : memref<80x128xi32, #tpu.memory_space<vmem>> -> memref<1x128xi32, #tpu.memory_space<vmem>>
      %dma_wait3A_183 = tpu.memref_squeeze %dma_wait3A_182 : memref<1x128xi32, #tpu.memory_space<vmem>> -> memref<128xi32, #tpu.memory_space<vmem>>
      %dma_wait3A_184 = arith.constant 0 : i32
      %dma_wait3A_185 = arith.constant 0 : i32
      %dma_wait3A_186 = tpu.memref_slice %arg2[%dma_wait3A_184, %dma_wait3A_185] : memref<10000x64xf32, #tpu.memory_space<hbm>> -> memref<10000x64xf32, #tpu.memory_space<hbm>>
      tpu.wait_indirect_dma semaphore(%arg13 : memref<!tpu.dma_semaphore, #tpu.memory_space<semaphore_mem>>) src(%dma_wait3A_186 : memref<10000x64xf32, #tpu.memory_space<hbm>>) dst(%dma_wait3A_180 : memref<128x64xf32, #tpu.memory_space<vmem>>)
      %run_scoped3A_187 = arith.constant 2 : i32
      "tpu.region"() ({
        %run_scoped3A_232 = tpu.sem_alloc : memref<!tpu.dma_semaphore, #tpu.memory_space<semaphore_mem>>
        %dma_start3A_233 = arith.constant 0 : i32
        %dma_start3A_234 = arith.constant 0 : i32
        %dma_start3A_235 = tpu.memref_slice %arg9[%run_scoped3A_187, %dma_start3A_233, %dma_start3A_234] : memref<4x128x64xf32, #tpu.memory_space<vmem>> -> memref<1x128x64xf32, #tpu.memory_space<vmem>>
        %dma_start3A_236 = tpu.memref_squeeze %dma_start3A_235 : memref<1x128x64xf32, #tpu.memory_space<vmem>> -> memref<128x64xf32, #tpu.memory_space<vmem>>
        %dma_start3A_237 = arith.constant 0 : i32
        %dma_start3A_238 = tpu.memref_slice %arg8[%add3A_175, %dma_start3A_237] : memref<80x128xi32, #tpu.memory_space<vmem>> -> memref<1x128xi32, #tpu.memory_space<vmem>>
        %dma_start3A_239 = tpu.memref_squeeze %dma_start3A_238 : memref<1x128xi32, #tpu.memory_space<vmem>> -> memref<128xi32, #tpu.memory_space<vmem>>
        %dma_start3A_240 = arith.constant 0 : i32
        %dma_start3A_241 = arith.constant 0 : i32
        %dma_start3A_242 = tpu.memref_slice %arg10[%dma_start3A_240, %dma_start3A_241] : memref<10112x64xf32, #tpu.memory_space<vmem_shared>> -> memref<10112x64xf32, #tpu.memory_space<vmem_shared>>
        tpu.enqueue_indirect_dma source(%dma_start3A_236 : memref<128x64xf32, #tpu.memory_space<vmem>>) target(%dma_start3A_242 : memref<10112x64xf32, #tpu.memory_space<vmem_shared>>) offsets(%dma_start3A_239 : memref<128xi32, #tpu.memory_space<vmem>>) semaphore(%run_scoped3A_232 : memref<!tpu.dma_semaphore, #tpu.memory_space<semaphore_mem>>) {add = true}
        %dma_wait3A_243 = arith.constant 0 : i32
        %dma_wait3A_244 = arith.constant 0 : i32
        %dma_wait3A_245 = tpu.memref_slice %arg9[%run_scoped3A_187, %dma_wait3A_243, %dma_wait3A_244] : memref<4x128x64xf32, #tpu.memory_space<vmem>> -> memref<1x128x64xf32, #tpu.memory_space<vmem>>
        %dma_wait3A_246 = tpu.memref_squeeze %dma_wait3A_245 : memref<1x128x64xf32, #tpu.memory_space<vmem>> -> memref<128x64xf32, #tpu.memory_space<vmem>>
        %dma_wait3A_247 = arith.constant 0 : i32
        %dma_wait3A_248 = tpu.memref_slice %arg8[%add3A_175, %dma_wait3A_247] : memref<80x128xi32, #tpu.memory_space<vmem>> -> memref<1x128xi32, #tpu.memory_space<vmem>>
        %dma_wait3A_249 = tpu.memref_squeeze %dma_wait3A_248 : memref<1x128xi32, #tpu.memory_space<vmem>> -> memref<128xi32, #tpu.memory_space<vmem>>
        %dma_wait3A_250 = arith.constant 0 : i32
        %dma_wait3A_251 = arith.constant 0 : i32
        %dma_wait3A_252 = tpu.memref_slice %arg10[%dma_wait3A_250, %dma_wait3A_251] : memref<10112x64xf32, #tpu.memory_space<vmem_shared>> -> memref<10112x64xf32, #tpu.memory_space<vmem_shared>>
        tpu.wait_indirect_dma semaphore(%run_scoped3A_232 : memref<!tpu.dma_semaphore, #tpu.memory_space<semaphore_mem>>) src(%dma_wait3A_246 : memref<128x64xf32, #tpu.memory_space<vmem>>) dst(%dma_wait3A_252 : memref<10112x64xf32, #tpu.memory_space<vmem_shared>>)
        tpu.yield
      }) : () -> ()
      %add3A_188 = arith.constant 4 : i32
      %add3A_189 = arith.addi %add3A_175, %add3A_188 : i32
      %rem3A_190 = arith.constant 80 : i32
      %rem3A_191 = arith.remsi %add3A_189, %rem3A_190 : i32
      %dma_start3A_192 = arith.constant 2 : i32
      %dma_start3A_193 = arith.constant 0 : i32
      %dma_start3A_194 = arith.constant 0 : i32
      %dma_start3A_195 = tpu.memref_slice %arg9[%dma_start3A_192, %dma_start3A_193, %dma_start3A_194] : memref<4x128x64xf32, #tpu.memory_space<vmem>> -> memref<1x128x64xf32, #tpu.memory_space<vmem>>
      %dma_start3A_196 = tpu.memref_squeeze %dma_start3A_195 : memref<1x128x64xf32, #tpu.memory_space<vmem>> -> memref<128x64xf32, #tpu.memory_space<vmem>>
      %dma_start3A_197 = arith.constant 0 : i32
      %dma_start3A_198 = tpu.memref_slice %arg7[%rem3A_191, %dma_start3A_197] : memref<80x128xi32, #tpu.memory_space<vmem>> -> memref<1x128xi32, #tpu.memory_space<vmem>>
      %dma_start3A_199 = tpu.memref_squeeze %dma_start3A_198 : memref<1x128xi32, #tpu.memory_space<vmem>> -> memref<128xi32, #tpu.memory_space<vmem>>
      %dma_start3A_200 = arith.constant 0 : i32
      %dma_start3A_201 = arith.constant 0 : i32
      %dma_start3A_202 = tpu.memref_slice %arg2[%dma_start3A_200, %dma_start3A_201] : memref<10000x64xf32, #tpu.memory_space<hbm>> -> memref<10000x64xf32, #tpu.memory_space<hbm>>
      tpu.enqueue_indirect_dma source(%dma_start3A_202 : memref<10000x64xf32, #tpu.memory_space<hbm>>) target(%dma_start3A_196 : memref<128x64xf32, #tpu.memory_space<vmem>>) offsets(%dma_start3A_199 : memref<128xi32, #tpu.memory_space<vmem>>) semaphore(%arg13 : memref<!tpu.dma_semaphore, #tpu.memory_space<semaphore_mem>>)
      %add3A_203 = arith.constant 3 : i32
      %add3A_204 = arith.addi %mul3A_117, %add3A_203 : i32
      %dma_wait3A_205 = arith.constant 3 : i32
      %dma_wait3A_206 = arith.constant 0 : i32
      %dma_wait3A_207 = arith.constant 0 : i32
      %dma_wait3A_208 = tpu.memref_slice %arg9[%dma_wait3A_205, %dma_wait3A_206, %dma_wait3A_207] : memref<4x128x64xf32, #tpu.memory_space<vmem>> -> memref<1x128x64xf32, #tpu.memory_space<vmem>>
      %dma_wait3A_209 = tpu.memref_squeeze %dma_wait3A_208 : memref<1x128x64xf32, #tpu.memory_space<vmem>> -> memref<128x64xf32, #tpu.memory_space<vmem>>
      %dma_wait3A_210 = arith.constant 0 : i32
      %dma_wait3A_211 = tpu.memref_slice %arg7[%add3A_204, %dma_wait3A_210] : memref<80x128xi32, #tpu.memory_space<vmem>> -> memref<1x128xi32, #tpu.memory_space<vmem>>
      %dma_wait3A_212 = tpu.memref_squeeze %dma_wait3A_211 : memref<1x128xi32, #tpu.memory_space<vmem>> -> memref<128xi32, #tpu.memory_space<vmem>>
      %dma_wait3A_213 = arith.constant 0 : i32
      %dma_wait3A_214 = arith.constant 0 : i32
      %dma_wait3A_215 = tpu.memref_slice %arg2[%dma_wait3A_213, %dma_wait3A_214] : memref<10000x64xf32, #tpu.memory_space<hbm>> -> memref<10000x64xf32, #tpu.memory_space<hbm>>
      tpu.wait_indirect_dma semaphore(%arg14 : memref<!tpu.dma_semaphore, #tpu.memory_space<semaphore_mem>>) src(%dma_wait3A_215 : memref<10000x64xf32, #tpu.memory_space<hbm>>) dst(%dma_wait3A_209 : memref<128x64xf32, #tpu.memory_space<vmem>>)
      %run_scoped3A_216 = arith.constant 3 : i32
      "tpu.region"() ({
        %run_scoped3A_232 = tpu.sem_alloc : memref<!tpu.dma_semaphore, #tpu.memory_space<semaphore_mem>>
        %dma_start3A_233 = arith.constant 0 : i32
        %dma_start3A_234 = arith.constant 0 : i32
        %dma_start3A_235 = tpu.memref_slice %arg9[%run_scoped3A_216, %dma_start3A_233, %dma_start3A_234] : memref<4x128x64xf32, #tpu.memory_space<vmem>> -> memref<1x128x64xf32, #tpu.memory_space<vmem>>
        %dma_start3A_236 = tpu.memref_squeeze %dma_start3A_235 : memref<1x128x64xf32, #tpu.memory_space<vmem>> -> memref<128x64xf32, #tpu.memory_space<vmem>>
        %dma_start3A_237 = arith.constant 0 : i32
        %dma_start3A_238 = tpu.memref_slice %arg8[%add3A_204, %dma_start3A_237] : memref<80x128xi32, #tpu.memory_space<vmem>> -> memref<1x128xi32, #tpu.memory_space<vmem>>
        %dma_start3A_239 = tpu.memref_squeeze %dma_start3A_238 : memref<1x128xi32, #tpu.memory_space<vmem>> -> memref<128xi32, #tpu.memory_space<vmem>>
        %dma_start3A_240 = arith.constant 0 : i32
        %dma_start3A_241 = arith.constant 0 : i32
        %dma_start3A_242 = tpu.memref_slice %arg10[%dma_start3A_240, %dma_start3A_241] : memref<10112x64xf32, #tpu.memory_space<vmem_shared>> -> memref<10112x64xf32, #tpu.memory_space<vmem_shared>>
        tpu.enqueue_indirect_dma source(%dma_start3A_236 : memref<128x64xf32, #tpu.memory_space<vmem>>) target(%dma_start3A_242 : memref<10112x64xf32, #tpu.memory_space<vmem_shared>>) offsets(%dma_start3A_239 : memref<128xi32, #tpu.memory_space<vmem>>) semaphore(%run_scoped3A_232 : memref<!tpu.dma_semaphore, #tpu.memory_space<semaphore_mem>>) {add = true}
        %dma_wait3A_243 = arith.constant 0 : i32
        %dma_wait3A_244 = arith.constant 0 : i32
        %dma_wait3A_245 = tpu.memref_slice %arg9[%run_scoped3A_216, %dma_wait3A_243, %dma_wait3A_244] : memref<4x128x64xf32, #tpu.memory_space<vmem>> -> memref<1x128x64xf32, #tpu.memory_space<vmem>>
        %dma_wait3A_246 = tpu.memref_squeeze %dma_wait3A_245 : memref<1x128x64xf32, #tpu.memory_space<vmem>> -> memref<128x64xf32, #tpu.memory_space<vmem>>
        %dma_wait3A_247 = arith.constant 0 : i32
        %dma_wait3A_248 = tpu.memref_slice %arg8[%add3A_204, %dma_wait3A_247] : memref<80x128xi32, #tpu.memory_space<vmem>> -> memref<1x128xi32, #tpu.memory_space<vmem>>
        %dma_wait3A_249 = tpu.memref_squeeze %dma_wait3A_248 : memref<1x128xi32, #tpu.memory_space<vmem>> -> memref<128xi32, #tpu.memory_space<vmem>>
        %dma_wait3A_250 = arith.constant 0 : i32
        %dma_wait3A_251 = arith.constant 0 : i32
        %dma_wait3A_252 = tpu.memref_slice %arg10[%dma_wait3A_250, %dma_wait3A_251] : memref<10112x64xf32, #tpu.memory_space<vmem_shared>> -> memref<10112x64xf32, #tpu.memory_space<vmem_shared>>
        tpu.wait_indirect_dma semaphore(%run_scoped3A_232 : memref<!tpu.dma_semaphore, #tpu.memory_space<semaphore_mem>>) src(%dma_wait3A_246 : memref<128x64xf32, #tpu.memory_space<vmem>>) dst(%dma_wait3A_252 : memref<10112x64xf32, #tpu.memory_space<vmem_shared>>)
        tpu.yield
      }) : () -> ()
      %add3A_217 = arith.constant 4 : i32
      %add3A_218 = arith.addi %add3A_204, %add3A_217 : i32
      %rem3A_219 = arith.constant 80 : i32
      %rem3A_220 = arith.remsi %add3A_218, %rem3A_219 : i32
      %dma_start3A_221 = arith.constant 3 : i32
      %dma_start3A_222 = arith.constant 0 : i32
      %dma_start3A_223 = arith.constant 0 : i32
      %dma_start3A_224 = tpu.memref_slice %arg9[%dma_start3A_221, %dma_start3A_222, %dma_start3A_223] : memref<4x128x64xf32, #tpu.memory_space<vmem>> -> memref<1x128x64xf32, #tpu.memory_space<vmem>>
      %dma_start3A_225 = tpu.memref_squeeze %dma_start3A_224 : memref<1x128x64xf32, #tpu.memory_space<vmem>> -> memref<128x64xf32, #tpu.memory_space<vmem>>
      %dma_start3A_226 = arith.constant 0 : i32
      %dma_start3A_227 = tpu.memref_slice %arg7[%rem3A_220, %dma_start3A_226] : memref<80x128xi32, #tpu.memory_space<vmem>> -> memref<1x128xi32, #tpu.memory_space<vmem>>
      %dma_start3A_228 = tpu.memref_squeeze %dma_start3A_227 : memref<1x128xi32, #tpu.memory_space<vmem>> -> memref<128xi32, #tpu.memory_space<vmem>>
      %dma_start3A_229 = arith.constant 0 : i32
      %dma_start3A_230 = arith.constant 0 : i32
      %dma_start3A_231 = tpu.memref_slice %arg2[%dma_start3A_229, %dma_start3A_230] : memref<10000x64xf32, #tpu.memory_space<hbm>> -> memref<10000x64xf32, #tpu.memory_space<hbm>>
      tpu.enqueue_indirect_dma source(%dma_start3A_231 : memref<10000x64xf32, #tpu.memory_space<hbm>>) target(%dma_start3A_225 : memref<128x64xf32, #tpu.memory_space<vmem>>) offsets(%dma_start3A_228 : memref<128xi32, #tpu.memory_space<vmem>>) semaphore(%arg14 : memref<!tpu.dma_semaphore, #tpu.memory_space<semaphore_mem>>)
    }
    %scan3A_60 = arith.constant 20 : i32
    %dma_wait3A = arith.constant 0 : i32
    %dma_wait3A_61 = arith.constant 0 : i32
    %dma_wait3A_62 = arith.constant 0 : i32
    %dma_wait3A_63 = arith.constant 0 : i32
    %dma_wait3A_64 = tpu.memref_slice %arg9[%dma_wait3A_61, %dma_wait3A_62, %dma_wait3A_63] : memref<4x128x64xf32, #tpu.memory_space<vmem>> -> memref<1x128x64xf32, #tpu.memory_space<vmem>>
    %dma_wait3A_65 = tpu.memref_squeeze %dma_wait3A_64 : memref<1x128x64xf32, #tpu.memory_space<vmem>> -> memref<128x64xf32, #tpu.memory_space<vmem>>
    %dma_wait3A_66 = arith.constant 0 : i32
    %dma_wait3A_67 = tpu.memref_slice %arg7[%dma_wait3A, %dma_wait3A_66] : memref<80x128xi32, #tpu.memory_space<vmem>> -> memref<1x128xi32, #tpu.memory_space<vmem>>
    %dma_wait3A_68 = tpu.memref_squeeze %dma_wait3A_67 : memref<1x128xi32, #tpu.memory_space<vmem>> -> memref<128xi32, #tpu.memory_space<vmem>>
    %dma_wait3A_69 = arith.constant 0 : i32
    %dma_wait3A_70 = arith.constant 0 : i32
    %dma_wait3A_71 = tpu.memref_slice %arg2[%dma_wait3A_69, %dma_wait3A_70] : memref<10000x64xf32, #tpu.memory_space<hbm>> -> memref<10000x64xf32, #tpu.memory_space<hbm>>
    tpu.wait_indirect_dma semaphore(%arg11 : memref<!tpu.dma_semaphore, #tpu.memory_space<semaphore_mem>>) src(%dma_wait3A_71 : memref<10000x64xf32, #tpu.memory_space<hbm>>) dst(%dma_wait3A_65 : memref<128x64xf32, #tpu.memory_space<vmem>>)
    %dma_wait3A_72 = arith.constant 1 : i32
    %dma_wait3A_73 = arith.constant 1 : i32
    %dma_wait3A_74 = arith.constant 0 : i32
    %dma_wait3A_75 = arith.constant 0 : i32
    %dma_wait3A_76 = tpu.memref_slice %arg9[%dma_wait3A_73, %dma_wait3A_74, %dma_wait3A_75] : memref<4x128x64xf32, #tpu.memory_space<vmem>> -> memref<1x128x64xf32, #tpu.memory_space<vmem>>
    %dma_wait3A_77 = tpu.memref_squeeze %dma_wait3A_76 : memref<1x128x64xf32, #tpu.memory_space<vmem>> -> memref<128x64xf32, #tpu.memory_space<vmem>>
    %dma_wait3A_78 = arith.constant 0 : i32
    %dma_wait3A_79 = tpu.memref_slice %arg7[%dma_wait3A_72, %dma_wait3A_78] : memref<80x128xi32, #tpu.memory_space<vmem>> -> memref<1x128xi32, #tpu.memory_space<vmem>>
    %dma_wait3A_80 = tpu.memref_squeeze %dma_wait3A_79 : memref<1x128xi32, #tpu.memory_space<vmem>> -> memref<128xi32, #tpu.memory_space<vmem>>
    %dma_wait3A_81 = arith.constant 0 : i32
    %dma_wait3A_82 = arith.constant 0 : i32
    %dma_wait3A_83 = tpu.memref_slice %arg2[%dma_wait3A_81, %dma_wait3A_82] : memref<10000x64xf32, #tpu.memory_space<hbm>> -> memref<10000x64xf32, #tpu.memory_space<hbm>>
    tpu.wait_indirect_dma semaphore(%arg12 : memref<!tpu.dma_semaphore, #tpu.memory_space<semaphore_mem>>) src(%dma_wait3A_83 : memref<10000x64xf32, #tpu.memory_space<hbm>>) dst(%dma_wait3A_77 : memref<128x64xf32, #tpu.memory_space<vmem>>)
    %dma_wait3A_84 = arith.constant 2 : i32
    %dma_wait3A_85 = arith.constant 2 : i32
    %dma_wait3A_86 = arith.constant 0 : i32
    %dma_wait3A_87 = arith.constant 0 : i32
    %dma_wait3A_88 = tpu.memref_slice %arg9[%dma_wait3A_85, %dma_wait3A_86, %dma_wait3A_87] : memref<4x128x64xf32, #tpu.memory_space<vmem>> -> memref<1x128x64xf32, #tpu.memory_space<vmem>>
    %dma_wait3A_89 = tpu.memref_squeeze %dma_wait3A_88 : memref<1x128x64xf32, #tpu.memory_space<vmem>> -> memref<128x64xf32, #tpu.memory_space<vmem>>
    %dma_wait3A_90 = arith.constant 0 : i32
    %dma_wait3A_91 = tpu.memref_slice %arg7[%dma_wait3A_84, %dma_wait3A_90] : memref<80x128xi32, #tpu.memory_space<vmem>> -> memref<1x128xi32, #tpu.memory_space<vmem>>
    %dma_wait3A_92 = tpu.memref_squeeze %dma_wait3A_91 : memref<1x128xi32, #tpu.memory_space<vmem>> -> memref<128xi32, #tpu.memory_space<vmem>>
    %dma_wait3A_93 = arith.constant 0 : i32
    %dma_wait3A_94 = arith.constant 0 : i32
    %dma_wait3A_95 = tpu.memref_slice %arg2[%dma_wait3A_93, %dma_wait3A_94] : memref<10000x64xf32, #tpu.memory_space<hbm>> -> memref<10000x64xf32, #tpu.memory_space<hbm>>
    tpu.wait_indirect_dma semaphore(%arg13 : memref<!tpu.dma_semaphore, #tpu.memory_space<semaphore_mem>>) src(%dma_wait3A_95 : memref<10000x64xf32, #tpu.memory_space<hbm>>) dst(%dma_wait3A_89 : memref<128x64xf32, #tpu.memory_space<vmem>>)
    %dma_wait3A_96 = arith.constant 3 : i32
    %dma_wait3A_97 = arith.constant 3 : i32
    %dma_wait3A_98 = arith.constant 0 : i32
    %dma_wait3A_99 = arith.constant 0 : i32
    %dma_wait3A_100 = tpu.memref_slice %arg9[%dma_wait3A_97, %dma_wait3A_98, %dma_wait3A_99] : memref<4x128x64xf32, #tpu.memory_space<vmem>> -> memref<1x128x64xf32, #tpu.memory_space<vmem>>
    %dma_wait3A_101 = tpu.memref_squeeze %dma_wait3A_100 : memref<1x128x64xf32, #tpu.memory_space<vmem>> -> memref<128x64xf32, #tpu.memory_space<vmem>>
    %dma_wait3A_102 = arith.constant 0 : i32
    %dma_wait3A_103 = tpu.memref_slice %arg7[%dma_wait3A_96, %dma_wait3A_102] : memref<80x128xi32, #tpu.memory_space<vmem>> -> memref<1x128xi32, #tpu.memory_space<vmem>>
    %dma_wait3A_104 = tpu.memref_squeeze %dma_wait3A_103 : memref<1x128xi32, #tpu.memory_space<vmem>> -> memref<128xi32, #tpu.memory_space<vmem>>
    %dma_wait3A_105 = arith.constant 0 : i32
    %dma_wait3A_106 = arith.constant 0 : i32
    %dma_wait3A_107 = tpu.memref_slice %arg2[%dma_wait3A_105, %dma_wait3A_106] : memref<10000x64xf32, #tpu.memory_space<hbm>> -> memref<10000x64xf32, #tpu.memory_space<hbm>>
    tpu.wait_indirect_dma semaphore(%arg14 : memref<!tpu.dma_semaphore, #tpu.memory_space<semaphore_mem>>) src(%dma_wait3A_107 : memref<10000x64xf32, #tpu.memory_space<hbm>>) dst(%dma_wait3A_101 : memref<128x64xf32, #tpu.memory_space<vmem>>)
    %barrier3A_108 = arith.constant 0 : index
    tpu.barrier barrier_id(%barrier3A_108)
    %lt3A = arith.constant 15 : i32
    %lt3A_109 = arith.cmpi slt, %arg1, %lt3A : i32
    %convert_element_type3A = arith.extui %lt3A_109 : i1 to i32
    %cond3A = arith.constant 0 : i32
    %cond3A_110 = arith.cmpi ne, %convert_element_type3A, %cond3A : i32
    scf.if %cond3A_110 {
      %mul3A_115 = arith.constant 632 : i32
      %mul3A_116 = arith.muli %arg1, %mul3A_115 : i32
      %mul3A_117 = arith.constant 10000 : i32
      %mul3A_118 = arith.muli %arg0, %mul3A_117 : i32
      %mul3A_119 = arith.constant 632 : i32
      %mul3A_120 = arith.muli %arg1, %mul3A_119 : i32
      %add3A_121 = arith.addi %mul3A_118, %mul3A_120 : i32
      "tpu.region"() ({
        %run_scoped3A = tpu.sem_alloc : memref<!tpu.dma_semaphore, #tpu.memory_space<semaphore_mem>>
        %dma_start3A_122 = arith.constant 0 : i32
        %dma_start3A_123 = tpu.memref_slice %arg6[%add3A_121, %dma_start3A_122] : memref<20000x64xf32, #tpu.memory_space<hbm>> -> memref<632x64xf32, #tpu.memory_space<hbm>>
        %dma_start3A_124 = arith.constant 0 : i32
        %dma_start3A_125 = tpu.memref_slice %arg10[%mul3A_116, %dma_start3A_124] : memref<10112x64xf32, #tpu.memory_space<vmem_shared>> -> memref<632x64xf32, #tpu.memory_space<vmem_shared>>
        tpu.enqueue_dma source(%dma_start3A_125 : memref<632x64xf32, #tpu.memory_space<vmem_shared>>) target(%dma_start3A_123 : memref<632x64xf32, #tpu.memory_space<hbm>>) target_semaphore(%run_scoped3A : memref<!tpu.dma_semaphore, #tpu.memory_space<semaphore_mem>>)
        %dma_wait3A_126 = arith.constant 0 : i32
        %dma_wait3A_127 = tpu.memref_slice %arg6[%add3A_121, %dma_wait3A_126] : memref<20000x64xf32, #tpu.memory_space<hbm>> -> memref<632x64xf32, #tpu.memory_space<hbm>>
        %dma_wait3A_128 = arith.constant 0 : i32
        %dma_wait3A_129 = tpu.memref_slice %arg10[%mul3A_116, %dma_wait3A_128] : memref<10112x64xf32, #tpu.memory_space<vmem_shared>> -> memref<632x64xf32, #tpu.memory_space<vmem_shared>>
        tpu.wait_dma2 semaphore(%run_scoped3A : memref<!tpu.dma_semaphore, #tpu.memory_space<semaphore_mem>>) src(%dma_wait3A_129 : memref<632x64xf32, #tpu.memory_space<vmem_shared>>) dst(%dma_wait3A_127 : memref<632x64xf32, #tpu.memory_space<hbm>>)
        tpu.yield
      }) : () -> ()
    } else {
    }
    %eq3A = arith.constant 15 : i32
    %eq3A_111 = arith.cmpi eq, %arg1, %eq3A : i32
    %convert_element_type3A_112 = arith.extui %eq3A_111 : i1 to i32
    %cond3A_113 = arith.constant 0 : i32
    %cond3A_114 = arith.cmpi ne, %convert_element_type3A_112, %cond3A_113 : i32
    scf.if %cond3A_114 {
      %mul3A_115 = arith.constant 10000 : i32
      %mul3A_116 = arith.muli %arg0, %mul3A_115 : i32
      %add3A_117 = arith.constant 9480 : i32
      %add3A_118 = arith.addi %mul3A_116, %add3A_117 : i32
      "tpu.region"() ({
        %run_scoped3A = tpu.sem_alloc : memref<!tpu.dma_semaphore, #tpu.memory_space<semaphore_mem>>
        %dma_start3A_119 = arith.constant 0 : i32
        %dma_start3A_120 = tpu.memref_slice %arg6[%add3A_118, %dma_start3A_119] : memref<20000x64xf32, #tpu.memory_space<hbm>> -> memref<520x64xf32, #tpu.memory_space<hbm>>
        %dma_start3A_121 = arith.constant 9480 : i32
        %dma_start3A_122 = arith.constant 0 : i32
        %dma_start3A_123 = tpu.memref_slice %arg10[%dma_start3A_121, %dma_start3A_122] : memref<10112x64xf32, #tpu.memory_space<vmem_shared>> -> memref<520x64xf32, #tpu.memory_space<vmem_shared>>
        tpu.enqueue_dma source(%dma_start3A_123 : memref<520x64xf32, #tpu.memory_space<vmem_shared>>) target(%dma_start3A_120 : memref<520x64xf32, #tpu.memory_space<hbm>>) target_semaphore(%run_scoped3A : memref<!tpu.dma_semaphore, #tpu.memory_space<semaphore_mem>>)
        %dma_wait3A_124 = arith.constant 0 : i32
        %dma_wait3A_125 = tpu.memref_slice %arg6[%add3A_118, %dma_wait3A_124] : memref<20000x64xf32, #tpu.memory_space<hbm>> -> memref<520x64xf32, #tpu.memory_space<hbm>>
        %dma_wait3A_126 = arith.constant 9480 : i32
        %dma_wait3A_127 = arith.constant 0 : i32
        %dma_wait3A_128 = tpu.memref_slice %arg10[%dma_wait3A_126, %dma_wait3A_127] : memref<10112x64xf32, #tpu.memory_space<vmem_shared>> -> memref<520x64xf32, #tpu.memory_space<vmem_shared>>
        tpu.wait_dma2 semaphore(%run_scoped3A : memref<!tpu.dma_semaphore, #tpu.memory_space<semaphore_mem>>) src(%dma_wait3A_128 : memref<520x64xf32, #tpu.memory_space<vmem_shared>>) dst(%dma_wait3A_125 : memref<520x64xf32, #tpu.memory_space<hbm>>)
        tpu.yield
      }) : () -> ()
    } else {
    }
    return
  }
}

module attributes {stable_mosaic.version = 14 : i64} {
  func.func @_mm_body(%arg0: memref<10000x128xf32, #tpu.memory_space<vmem>>, %arg1: memref<128x64xf32, #tpu.memory_space<vmem>>, %arg2: memref<10000x64xf32, #tpu.memory_space<vmem>>) attributes {dimension_semantics = [], scalar_prefetch = 0 : i64, scratch_operands = 0 : i64, tpu.core_type = #tpu.core_type<tc>} {
    %get3A = arith.constant 0 : index
    %get3A_0 = arith.constant 0 : index
    %get3A_1 = vector.load %arg0[%get3A, %get3A_0] : memref<10000x128xf32, #tpu.memory_space<vmem>>, vector<10000x128xf32>
    %get3A_2 = arith.constant 0 : index
    %get3A_3 = arith.constant 0 : index
    %get3A_4 = vector.load %arg1[%get3A_2, %get3A_3] : memref<128x64xf32, #tpu.memory_space<vmem>>, vector<128x64xf32>
    %dot_general3A = arith.constant dense<0.000000e+00> : vector<10000x64xf32>
    %dot_general3A_5 = tpu.matmul %get3A_1, %get3A_4, %dot_general3A {dimension_numbers = #tpu.dot_dimension_numbers<[1], [0], [0], [1], [0, 0, 1, 1], [], []>, transpose_lhs_hint = false} : vector<10000x128xf32>, vector<128x64xf32>, vector<10000x64xf32> -> vector<10000x64xf32>
    %swap3A = arith.constant 0 : index
    %swap3A_6 = arith.constant 0 : index
    %swap3A_7 = vector.load %arg2[%swap3A, %swap3A_6] : memref<10000x64xf32, #tpu.memory_space<vmem>>, vector<10000x64xf32>
    tpu.vector_store %arg2[%swap3A, %swap3A_6], %dot_general3A_5 {strides = array<i32>} : memref<10000x64xf32, #tpu.memory_space<vmem>>, vector<10000x64xf32>,
    return
  }
}

module attributes {stable_mosaic.version = 14 : i64} {
  func.func @_mlp_body(%arg0: memref<10000x64xf32, #tpu.memory_space<vmem>>, %arg1: memref<20000x64xf32, #tpu.memory_space<vmem>>, %arg2: memref<1x64xf32, #tpu.memory_space<vmem>>, %arg3: memref<64x64xf32, #tpu.memory_space<vmem>>, %arg4: memref<1x64xf32, #tpu.memory_space<vmem>>, %arg5: memref<10000x64xf32, #tpu.memory_space<vmem>>) attributes {dimension_semantics = [], scalar_prefetch = 0 : i64, scratch_operands = 0 : i64, tpu.core_type = #tpu.core_type<tc>} {
    %get3A = arith.constant 0 : index
    %get3A_0 = arith.constant 0 : index
    %get3A_1 = vector.load %arg1[%get3A, %get3A_0] : memref<20000x64xf32, #tpu.memory_space<vmem>>, vector<20000x64xf32>
    %get3A_2 = arith.constant 0 : index
    %get3A_3 = arith.constant 0 : index
    %get3A_4 = vector.load %arg0[%get3A_2, %get3A_3] : memref<10000x64xf32, #tpu.memory_space<vmem>>, vector<10000x64xf32>
    %slice3A = vector.extract_strided_slice %get3A_1 {offsets = [0, 0], sizes = [10000, 64], strides = [1, 1]} : vector<20000x64xf32> to vector<10000x64xf32>
    %add3A = arith.addf %get3A_4, %slice3A : vector<10000x64xf32>
    %slice3A_5 = vector.extract_strided_slice %get3A_1 {offsets = [10000, 0], sizes = [10000, 64], strides = [1, 1]} : vector<20000x64xf32> to vector<10000x64xf32>
    %add3A_6 = arith.addf %add3A, %slice3A_5 : vector<10000x64xf32>
    %get3A_7 = arith.constant 0 : index
    %get3A_8 = arith.constant 0 : index
    %get3A_9 = vector.load %arg2[%get3A_7, %get3A_8] : memref<1x64xf32, #tpu.memory_space<vmem>>, vector<1x64xf32>
    %add3A_10 = vector.broadcast %get3A_9 : vector<1x64xf32> to vector<10000x64xf32>
    %add3A_11 = arith.addf %add3A_6, %add3A_10 : vector<10000x64xf32>
    %max3A = arith.constant 0.000000e+00 : f32
    %max3A_12 = vector.broadcast %max3A : f32 to vector<10000x64xf32>
    %max3A_13 = arith.maximumf %add3A_11, %max3A_12 : vector<10000x64xf32>
    %get3A_14 = arith.constant 0 : index
    %get3A_15 = arith.constant 0 : index
    %get3A_16 = vector.load %arg3[%get3A_14, %get3A_15] : memref<64x64xf32, #tpu.memory_space<vmem>>, vector<64x64xf32>
    %dot_general3A = arith.constant dense<0.000000e+00> : vector<10000x64xf32>
    %dot_general3A_17 = tpu.matmul %max3A_13, %get3A_16, %dot_general3A {dimension_numbers = #tpu.dot_dimension_numbers<[1], [0], [0], [1], [0, 0, 1, 1], [], []>, transpose_lhs_hint = false} : vector<10000x64xf32>, vector<64x64xf32>, vector<10000x64xf32> -> vector<10000x64xf32>
    %get3A_18 = arith.constant 0 : index
    %get3A_19 = arith.constant 0 : index
    %get3A_20 = vector.load %arg4[%get3A_18, %get3A_19] : memref<1x64xf32, #tpu.memory_space<vmem>>, vector<1x64xf32>
    %add3A_21 = vector.broadcast %get3A_20 : vector<1x64xf32> to vector<10000x64xf32>
    %add3A_22 = arith.addf %dot_general3A_17, %add3A_21 : vector<10000x64xf32>
    %max3A_23 = arith.constant 0.000000e+00 : f32
    %max3A_24 = vector.broadcast %max3A_23 : f32 to vector<10000x64xf32>
    %max3A_25 = arith.maximumf %add3A_22, %max3A_24 : vector<10000x64xf32>
    %swap3A = arith.constant 0 : index
    %swap3A_26 = arith.constant 0 : index
    %swap3A_27 = vector.load %arg5[%swap3A, %swap3A_26] : memref<10000x64xf32, #tpu.memory_space<vmem>>, vector<10000x64xf32>
    tpu.vector_store %arg5[%swap3A, %swap3A_26], %max3A_25 {strides = array<i32>} : memref<10000x64xf32, #tpu.memory_space<vmem>>, vector<10000x64xf32>,
    return
  }
}

module attributes {stable_mosaic.version = 14 : i64} {
  func.func @_mlp2_pool_body(%arg0: memref<10000x64xf32, #tpu.memory_space<vmem>>, %arg1: memref<20000x64xf32, #tpu.memory_space<vmem>>, %arg2: memref<64x64xf32, #tpu.memory_space<vmem>>, %arg3: memref<1x64xf32, #tpu.memory_space<vmem>>, %arg4: memref<64x64xf32, #tpu.memory_space<vmem>>, %arg5: memref<1x64xf32, #tpu.memory_space<vmem>>, %arg6: memref<1x10000xi32, #tpu.memory_space<vmem>>, %arg7: memref<64x1xf32, #tpu.memory_space<vmem>>, %arg8: memref<1x1xf32, #tpu.memory_space<vmem>>, %arg9: memref<64x1xf32, #tpu.memory_space<vmem>>) attributes {dimension_semantics = [], scalar_prefetch = 0 : i64, scratch_operands = 0 : i64, tpu.core_type = #tpu.core_type<tc>} {
    %get3A = arith.constant 0 : index
    %get3A_0 = arith.constant 0 : index
    %get3A_1 = vector.load %arg1[%get3A, %get3A_0] : memref<20000x64xf32, #tpu.memory_space<vmem>>, vector<20000x64xf32>
    %get3A_2 = arith.constant 0 : index
    %get3A_3 = arith.constant 0 : index
    %get3A_4 = vector.load %arg0[%get3A_2, %get3A_3] : memref<10000x64xf32, #tpu.memory_space<vmem>>, vector<10000x64xf32>
    %slice3A = vector.extract_strided_slice %get3A_1 {offsets = [0, 0], sizes = [10000, 64], strides = [1, 1]} : vector<20000x64xf32> to vector<10000x64xf32>
    %add3A = arith.addf %get3A_4, %slice3A : vector<10000x64xf32>
    %slice3A_5 = vector.extract_strided_slice %get3A_1 {offsets = [10000, 0], sizes = [10000, 64], strides = [1, 1]} : vector<20000x64xf32> to vector<10000x64xf32>
    %add3A_6 = arith.addf %add3A, %slice3A_5 : vector<10000x64xf32>
    %get3A_7 = arith.constant 0 : index
    %get3A_8 = arith.constant 0 : index
    %get3A_9 = vector.load %arg2[%get3A_7, %get3A_8] : memref<64x64xf32, #tpu.memory_space<vmem>>, vector<64x64xf32>
    %dot_general3A = arith.constant dense<0.000000e+00> : vector<10000x64xf32>
    %dot_general3A_10 = tpu.matmul %add3A_6, %get3A_9, %dot_general3A {dimension_numbers = #tpu.dot_dimension_numbers<[1], [0], [0], [1], [0, 0, 1, 1], [], []>, transpose_lhs_hint = false} : vector<10000x64xf32>, vector<64x64xf32>, vector<10000x64xf32> -> vector<10000x64xf32>
    %get3A_11 = arith.constant 0 : index
    %get3A_12 = arith.constant 0 : index
    %get3A_13 = vector.load %arg3[%get3A_11, %get3A_12] : memref<1x64xf32, #tpu.memory_space<vmem>>, vector<1x64xf32>
    %add3A_14 = vector.broadcast %get3A_13 : vector<1x64xf32> to vector<10000x64xf32>
    %add3A_15 = arith.addf %dot_general3A_10, %add3A_14 : vector<10000x64xf32>
    %max3A = arith.constant 0.000000e+00 : f32
    %max3A_16 = vector.broadcast %max3A : f32 to vector<10000x64xf32>
    %max3A_17 = arith.maximumf %add3A_15, %max3A_16 : vector<10000x64xf32>
    %get3A_18 = arith.constant 0 : index
    %get3A_19 = arith.constant 0 : index
    %get3A_20 = vector.load %arg4[%get3A_18, %get3A_19] : memref<64x64xf32, #tpu.memory_space<vmem>>, vector<64x64xf32>
    %dot_general3A_21 = arith.constant dense<0.000000e+00> : vector<10000x64xf32>
    %dot_general3A_22 = tpu.matmul %max3A_17, %get3A_20, %dot_general3A_21 {dimension_numbers = #tpu.dot_dimension_numbers<[1], [0], [0], [1], [0, 0, 1, 1], [], []>, transpose_lhs_hint = false} : vector<10000x64xf32>, vector<64x64xf32>, vector<10000x64xf32> -> vector<10000x64xf32>
    %get3A_23 = arith.constant 0 : index
    %get3A_24 = arith.constant 0 : index
    %get3A_25 = vector.load %arg5[%get3A_23, %get3A_24] : memref<1x64xf32, #tpu.memory_space<vmem>>, vector<1x64xf32>
    %add3A_26 = vector.broadcast %get3A_25 : vector<1x64xf32> to vector<10000x64xf32>
    %add3A_27 = arith.addf %dot_general3A_22, %add3A_26 : vector<10000x64xf32>
    %max3A_28 = arith.constant 0.000000e+00 : f32
    %max3A_29 = vector.broadcast %max3A_28 : f32 to vector<10000x64xf32>
    %max3A_30 = arith.maximumf %add3A_27, %max3A_29 : vector<10000x64xf32>
    %iota3A = tpu.iota {dimensions = array<i32: 0>} : vector<64x1xi32>
    %get3A_31 = arith.constant 0 : index
    %get3A_32 = arith.constant 0 : index
    %get3A_33 = vector.load %arg6[%get3A_31, %get3A_32] : memref<1x10000xi32, #tpu.memory_space<vmem>>, vector<1x10000xi32>
    %eq3A = vector.broadcast %get3A_33 : vector<1x10000xi32> to vector<64x10000xi32>
    %eq3A_34 = vector.broadcast %iota3A : vector<64x1xi32> to vector<64x10000xi32>
    %eq3A_35 = arith.cmpi eq, %eq3A, %eq3A_34 : vector<64x10000xi32>
    %convert_element_type3A = arith.extui %eq3A_35 : vector<64x10000xi1> to vector<64x10000xi32>
    %convert_element_type3A_36 = arith.sitofp %convert_element_type3A : vector<64x10000xi32> to vector<64x10000xf32>
    %dot_general3A_37 = arith.constant dense<0.000000e+00> : vector<64x64xf32>
    %dot_general3A_38 = tpu.matmul %convert_element_type3A_36, %max3A_30, %dot_general3A_37 {dimension_numbers = #tpu.dot_dimension_numbers<[1], [0], [0], [1], [0, 0, 1, 1], [], []>, transpose_lhs_hint = false} : vector<64x10000xf32>, vector<10000x64xf32>, vector<64x64xf32> -> vector<64x64xf32>
    %reduce_sum3A = arith.constant dense<0.000000e+00> : vector<64xf32>
    %reduce_sum3A_39 = vector.multi_reduction <add>, %convert_element_type3A_36, %reduce_sum3A [1] : vector<64x10000xf32> to vector<64xf32>
    %broadcast_in_dim3A = vector.shape_cast %reduce_sum3A_39 : vector<64xf32> to vector<64x1xf32>
    %max3A_40 = arith.constant 1.000000e+00 : f32
    %max3A_41 = vector.broadcast %max3A_40 : f32 to vector<64x1xf32>
    %max3A_42 = arith.maximumf %broadcast_in_dim3A, %max3A_41 : vector<64x1xf32>
    %div3A = vector.broadcast %max3A_42 : vector<64x1xf32> to vector<64x64xf32>
    %div3A_43 = arith.divf %dot_general3A_38, %div3A : vector<64x64xf32>
    %get3A_44 = arith.constant 0 : index
    %get3A_45 = arith.constant 0 : index
    %get3A_46 = vector.load %arg7[%get3A_44, %get3A_45] : memref<64x1xf32, #tpu.memory_space<vmem>>, vector<64x1xf32>
    %dot_general3A_47 = arith.constant dense<0.000000e+00> : vector<64x1xf32>
    %dot_general3A_48 = tpu.matmul %div3A_43, %get3A_46, %dot_general3A_47 {dimension_numbers = #tpu.dot_dimension_numbers<[1], [0], [0], [1], [0, 0, 1, 1], [], []>, transpose_lhs_hint = false} : vector<64x64xf32>, vector<64x1xf32>, vector<64x1xf32> -> vector<64x1xf32>
    %get3A_49 = arith.constant 0 : index
    %get3A_50 = arith.constant 0 : index
    %get3A_51 = vector.load %arg8[%get3A_49, %get3A_50] : memref<1x1xf32, #tpu.memory_space<vmem>>, vector<1x1xf32>
    %add3A_52 = vector.broadcast %get3A_51 : vector<1x1xf32> to vector<64x1xf32>
    %add3A_53 = arith.addf %dot_general3A_48, %add3A_52 : vector<64x1xf32>
    %swap3A = arith.constant 0 : index
    %swap3A_54 = arith.constant 0 : index
    %swap3A_55 = vector.load %arg9[%swap3A, %swap3A_54] : memref<64x1xf32, #tpu.memory_space<vmem>>, vector<64x1xf32>
    tpu.vector_store %arg9[%swap3A, %swap3A_54], %add3A_53 {strides = array<i32>} : memref<64x1xf32, #tpu.memory_space<vmem>>, vector<64x1xf32>,
    return
  }
}

</mosaic_0001>

<sc_bundles>
// kernel: kernel.10.cloned.1.call-start
scs
__scs_entry_jumppad:
0x0: {  	(pc) =	sbr.rel $0x88, $3  }
0x1: {  	(tag) =	ssettag $0x0;
	lr =	simm.s32 $0x1  }
0x2: {  	[smem:$0x3F94] =	sst lr;
	_ =	strace $0xD0000000  }
0x3: {  	_ = 	snop  }
0x4: {  	_ = 	snop  }
0x5: {  	_ = 	snop  }
0x6: {  	_ = 	snop  }
0x7: {  	_ = 	snop  }
__scs_overlays_trampoline_lowered:
0x8: {  	[smem:$0x3FA3] =	sst s0  }
0x9: {  	[smem:$0x3FA4] =	sst s1  }
0xa: {  	[smem:$0x3FA5] =	sst s2  }
0xb: {  	[smem:$0x3FA6] =	sst s3  }
0xc: {  	[smem:$0x3FA7] =	sst s4  }
0xd: {  	[smem:$0x3FA8] =	sst s5  }
0xe: {  	[smem:$0x3FA9] =	sst s6  }
0xf: {  	[smem:$0x3FAA] =	sst s7  }
0x10: {  	[smem:$0x3FAB] =	sst s8  }
0x11: {  	[smem:$0x3FAC] =	sst s9;
	s0 =	simm.s32 @!p0 $0x0  }
0x12: {  	s1 =	sld [smem:$0x3F92];
	s0 =	simm.s32 @p0 $0x1  }
0x13: {  	[smem:$0x3FAD] =	sst s0;
	s0 =	simm.s32 @!p1 $0x0  }
0x14: {  	s2 =	sld [smem:$0x3F91];
	s0 =	simm.s32 @p1 $0x1  }
0x15: {  	[smem:$0x3FAE] =	sst s0;
	s0 =	simm.s32 @!p2 $0x0  }
0x16: {  	s3 =	sld [smem:$0x3FDB];
	s0 =	simm.s32 @p2 $0x1  }
0x17: {  	s4 =	simm.s32 $0x1BF5;
	[smem:$0x3FB0] =	sst s0  }
0x18: {  	s0 =	sld [smem:$0x3F93];
	_ =	swait.ge [sflag:s4], $0x0  }
0x19: {  	s7 =	sld [smem:$0x3F94]  }
0x1a: {  	s8 =	sadd.s32 $0xFFFFE003, lr  }
0x1b: {  	s9 =	sadd.s32 $0xFFFFFEF7, lr;
	s5 =	simm.s32 $0xFFFFFFFF;
	p2 =	slt.u32 s8, $0xFFFFF086  }
0x1c: {  	p1 =	slt.u32 s9, $0xF7A;
	s5 =	simm.s32 @!p2 $0x0  }
0x1d: {  	s5 =	simm.s32 @p1 $0x1;
	p0 =	seq.s32 s7, s2  }
0x1e: {  	s7 =	smul.u32 @!p0 $0xF7A, s2;
	p2 =	seq.s32 @!p0 s5, $0x0  }
0x1f: {  	s9 =	smul.u32 $0xF7A, s1;
	s8 =	simm.s32 @!p0 $0x1BF5;
	p2 =	por !p2, p0  }
0x20: {  	[sflag:s8] =	ssyncset.s32 @!p0 $0xFFFFF086;
	s6 =	sadd.s32 @!p0 s3, s7;
	s7 =	simm.s32 @!p0 $0x108  }
0x21: {  	s3 =	sadd.s32 s3, s9;
	s6 =	sadd.s32 @!p0 $0x88, s6;
	s7 =	simm.s32 @p2 $0x1082  }
0x22: {  	[simem:s7], [sflag:s8] =	dma.local @!p0 [hbm:s6], $0xF7A  }
0x23: {  	s9 =	sor.u32 $0xD0000000, s2;
	s6 =	simm.s32 $0x108;
	_ =	swait.ge @!p0 [sflag:s8], $0x0  }
0x24: {  	s3 =	sadd.s32 $0x88, s3;
	s6 =	simm.s32 @!p1 $0x1082;
	[sflag:s4] =	ssyncset.s32 $0xFFFFF086  }
0x25: {  	[simem:s6], [sflag:s4] =	dma.local [hbm:s3], $0xF7A  }
0x26: {  	[smem:$0x3F94] =	sst s1;
	(tag) =	ssettag s2;
	_ =	strace s9  }
0x27: {  	s1 =	sld [smem:$0x3FA4]  }
0x28: {  	s2 =	sld [smem:$0x3FA5]  }
0x29: {  	s4 =	sld [smem:$0x3FA7]  }
0x2a: {  	p0 =	seq.s32 s5, $0x0;
	s5 =	sld [smem:$0x3FA8]  }
0x2b: {  	s6 =	sld [smem:$0x3FA9]  }
0x2c: {  	s7 =	sld [smem:$0x3FAA]  }
0x2d: {  	s3 =	simm.s32 $0x108;
	s8 =	sld [smem:$0x3FAB]  }
0x2e: {  	s3 =	simm.s32 @!p0 $0x1082;
	s9 =	sld [smem:$0x3FAC]  }
0x2f: {  	lr =	sadd.s32 s0, s3;
	s0 =	sld [smem:$0x3FA3]  }
0x30: {  	s3 =	sld [smem:$0x3FA6]  }
0x31: {  	[smem:$0x3FAF] =	sst s10  }
0x32: {  	s10 =	sld [smem:$0x3FAD];
	_ =	sdelay $0x3  }
0x33: {  	p0 =	seq.s32 s10, $0x1;
	s10 =	sld [smem:$0x3FAF];
	_ =	sdelay $0x3  }
0x34: {  	[smem:$0x3FAF] =	sst s10  }
0x35: {  	s10 =	sld [smem:$0x3FAE];
	_ =	sdelay $0x3  }
0x36: {  	p1 =	seq.s32 s10, $0x1;
	s10 =	sld [smem:$0x3FAF];
	_ =	sdelay $0x3  }
0x37: {  	[smem:$0x3FAF] =	sst s10  }
0x38: {  	s10 =	sld [smem:$0x3FB0]  }
0x39: {  	_ = 	snop;
	(pc) =	sbr.ind lr, $3  }
0x3a: {  	_ = 	snop  }
0x3b: {  	_ = 	snop  }
0x3c: {  	p2 =	seq.s32 s10, $0x1;
	s10 =	sld [smem:$0x3FAF]  }
0x3d: {  	_ =	shalt  }
0x3e: {  	_ =	shalt  }
0x3f: {  	_ =	shalt  }
0x40: {  	_ =	shalt  }
0x41: {  	_ =	shalt  }
0x42: {  	_ =	shalt  }
0x43: {  	_ =	shalt  }
0x44: {  	_ =	shalt  }
0x45: {  	_ =	shalt  }
0x46: {  	_ =	shalt  }
0x47: {  	_ =	shalt  }
0x48: {  	_ =	shalt  }
0x49: {  	_ =	shalt  }
0x4a: {  	_ =	shalt  }
0x4b: {  	_ =	shalt  }
0x4c: {  	_ =	shalt  }
0x4d: {  	_ =	shalt  }
0x4e: {  	_ =	shalt  }
0x4f: {  	_ =	shalt  }
0x50: {  	_ =	shalt  }
0x51: {  	_ =	shalt  }
0x52: {  	_ =	shalt  }
0x53: {  	_ =	shalt  }
0x54: {  	_ =	shalt  }
0x55: {  	_ =	shalt  }
0x56: {  	_ =	shalt  }
0x57: {  	_ =	shalt  }
0x58: {  	_ =	shalt  }
0x59: {  	_ =	shalt  }
0x5a: {  	_ =	shalt  }
0x5b: {  	_ =	shalt  }
0x5c: {  	_ =	shalt  }
0x5d: {  	_ =	shalt  }
0x5e: {  	_ =	shalt  }
0x5f: {  	_ =	shalt  }
0x60: {  	_ =	shalt  }
0x61: {  	_ =	shalt  }
0x62: {  	_ =	shalt  }
0x63: {  	_ =	shalt  }
0x64: {  	_ =	shalt  }
0x65: {  	_ =	shalt  }
0x66: {  	_ =	shalt  }
0x67: {  	_ =	shalt  }
0x68: {  	_ =	shalt  }
0x69: {  	_ =	shalt  }
0x6a: {  	_ =	shalt  }
0x6b: {  	_ =	shalt  }
0x6c: {  	_ =	shalt  }
0x6d: {  	_ =	shalt  }
0x6e: {  	_ =	shalt  }
0x6f: {  	_ =	shalt  }
0x70: {  	_ =	shalt  }
0x71: {  	_ =	shalt  }
0x72: {  	_ =	shalt  }
0x73: {  	_ =	shalt  }
0x74: {  	_ =	shalt  }
0x75: {  	_ =	shalt  }
0x76: {  	_ =	shalt  }
0x77: {  	_ =	shalt  }
0x78: {  	_ =	shalt  }
0x79: {  	_ =	shalt  }
0x7a: {  	_ =	shalt  }
0x7b: {  	_ =	shalt  }
0x7c: {  	_ =	shalt  }
0x7d: {  	_ =	shalt  }
0x7e: {  	_ =	shalt  }
0x7f: {  	_ =	shalt  }
0x80: {  	_ =	shalt  }
0x81: {  	_ =	shalt  }
0x82: {  	_ =	shalt  }
0x83: {  	_ =	shalt  }
0x84: {  	_ =	shalt  }
0x85: {  	_ =	shalt  }
0x86: {  	_ =	shalt  }
0x87: {  	_ =	shalt  }
.Lfunc_end0:
.L_simem_size_0:
called_computation.1_lowered:
.L_overlay_start_0:
0x88: {  	s2 =	sld [smem:$0x3FD9]  }
0x89: {  	s3 =	sld [smem:$0x3FFE];
	_ =	sdelay $0x1  }
0x8a: {  	s1 =	srdreg.scid  }
0x8b: {  	s0 =	sand.u32 $0x1, s1  }
0x8c: {  	s16 =	sshll.u32 s0, $0xA;
	s2 =	sadd.s32 s3, s2  }
0x8d: {  	s2 =	sadd.s32 s2, s16  }
0x8e: {  	[smem:$0x3FBB] =	sst s2  }
0x8f: {  	_ = 	snop  }
0x90: {  	(tm) =	ssettm $0x1  }
0x91: {  	s17 =	sld [smem:$0x3FFB];
	_ =	sdelay $0x3  }
0x92: {  	_ =	strace s17  }
0x93: {  	s2 =	sld [smem:$0x3FFC];
	_ =	sdelay $0x3  }
0x94: {  	_ =	strace s2  }
0x95: {  	s2 =	sld [smem:$0x3FFD];
	_ =	sdelay $0x3  }
0x96: {  	_ =	strace s2  }
0x97: {  	_ =	strace $0x8FFFFFFF  }
0x98: {  	s18 =	sld [smem:$0x3FDB];
	_ =	sdelay $0x1  }
0x99: {  	s19 =	simm.s32 $_scs_section_size  }
0x9a: {  	s4 =	simm.s32 $_size__tile_overlayer_lowered;
	s5 =	simm.s32 $_tile_overlayer_lowered  }
0x9b: {  	s22 =	simm.s32 $0x1BFF;
	s21 =	sshll.u32 s5, $0x1;
	s2 =	sadd.s32 s19, s18  }
0x9c: {  	s6 =	simm.s32 $0x0;
	s20 =	sshll.u32 s4, $0x1;
	s4 =	sadd.s32 s21, s2  }
0x9d: {  	[timem:s6], [sflag:s22] =	dma.local [hbm:s4], s20  }
0x9e: {  	_ =	swait.ge [sflag:s22], s20  }
0x9f: {  	s3 =	ssub.s32 $0x0, s20;
	[sflag:s22] =	ssyncset.done $0x0  }
0xa0: {  	[sflag:s22] =	ssyncadd.s32 s3;
	_ =	sdelay $0x1  }
0xa1: {  	s23 =	simm.s32 $0x1B8B  }
0xa2: {  	_ =	swait.ge [sflag:s23], $0x1  }
0xa3: {  	[sflag:s23] =	ssyncset.done $0x0  }
0xa4: {  	s25 =	simm.s32 $0x1B8E;
	s24 =	sld [smem:$0x3FFE];
	[sflag:s23] =	ssyncadd.s32 $0xFFFFFFFF  }
0xa5: {  	s26 =	simm.s32 $execute0_lowered;
	[smem:$0x3FD2] =	sst s25  }
0xa6: {  	s4 =	sshll.u32 s26, $0x1;
	_ =	strace $0x80000049;
	[dreg:$0x1] =	wrdreg $0xFFFFFFFF  }
0xa7: {  	s28 =	simm.s32 $_size_execute0_lowered;
	s2 =	sadd.s32 s2, s4;
	[dreg:$0x0] =	wrdreg $0x0  }
0xa8: {  	s4 =	sshll.u32 s28, $0x1;
	[dreg:$0x2] =	wrdreg s2  }
0xa9: {  	[dreg:$0x3] =	wrdreg s4  }
0xaa: {  	[dreg:$0x4] =	wrdreg $0xC0  }
0xab: {  	_ =	task [dreg:s6], $0x5FFFF  }
0xac: {  	[dreg:$0x1] =	wrdreg $0xFFFFFFFF  }
0xad: {  	[dreg:$0x0] =	wrdreg $0x60  }
0xae: {  	[dreg:$0x2] =	wrdreg s24  }
0xaf: {  	[dreg:$0x3] =	wrdreg $0xD0000  }
0xb0: {  	[dreg:$0x4] =	wrdreg $0x9  }
0xb1: {  	_ =	task.clear_ibuf [dreg:s6], $0x5FFFF;
	_ =	strace $0x90000049  }
0xb2: {  	s29 =	simm.s32 $0x9;
	_ =	strace $0x8000004B  }
0xb3: {  	_ =	swait.ge [sflag:s29], $0x1  }
0xb4: {  	[sflag:s29] =	ssyncadd.s32 $0xFFFFFFFF  }
0xb5: {  	_ =	strace $0x9000004B  }
0xb6: {  	_ =	sfence  }
0xb7: {  	s30 =	sld [smem:$0x0];
	_ =	sdelay $0x2  }
0xb8: {  	s31 =	sshll.u32 s1, $0xD;
	s1 =	sshrl.u32 s1, $0x2  }
0xb9: {  	s3 =	sand.u32 $0x4000, s31;
	s1 =	sadd.s32 s1, s30  }
0xba: {  	s0 =	sor.u32 s3, s0;
	s1 =	sshll.u32 s1, $0x11  }
0xbb: {  	s0 =	sor.u32 s1, s0  }
0xbc: {  	s0 =	sadd.s32 $0x8F2B, s0  }
0xbd: {  	[sflag:s0] =	ssyncadd.remote.s32 $0x1  }
0xbe: {  	_ =	sfence.sel $0xFFFF  }
0xbf: {  	[dreg:$0x0] =	wrdreg $0xFFFFFFFF;
	(pc) =	sbr.abs _section_cstart, $3  }
0xc0: {  	[dreg:$0x1] =	wrdreg $0xFFFFFFFF  }
0xc1: {  	_ =	task.clear_ibuf [dreg:s6], $0x2FFFF;
	_ =	strace $0x9FFFFFFF  }
0xc2: {  	(tm) =	ssettm $0x7FFFFFFF  }
0xc3: {  	_ =	shalt  }
tec
execute0_lowered:
.L_overlay_start_1:
0x0: {  	(tag) =	ssettag $0x1  }
0x1: {  	s0 =	srdreg.scid  }
0x2: {  	s15 =	stileid.u32;
	s1 =	rddreg [dreg:$0x0]  }
0x3: {  	s2 =	rddreg [dreg:$0x1];
	s14 =	simm.s32 $0x5;
	s16 =	simm.s32 $0x80  }
0x4: {  	s17 =	simm.s32 $0x5000;
	s18 =	simm.s32 $0x7000;
	s19 =	simm.s32 $0x100  }
0x5: {  	s20 =	simm.s32 $0x9000;
	s21 =	simm.s32 $0x180;
	s22 =	simm.s32 $0xB000  }
0x6: {  	s23 =	simm.s32 $0x1;
	s24 =	simm.s32 $0x2;
	s28 =	simm.s32 $0x4  }
0x7: {  	s31 =	simm.s32 $0x4F00;
	s0 =	sand.u32 $0x1, s0;
	s6 =	smul.u32 $0x9E00, s15  }
0x8: {  	s3 =	sshll.u32 s15, $0x1;
	s10 =	smul.u32 $0x13C0, s15;
	s30 =	sshll.u32 s15, $0x6  }
0x9: {  	p0 =	seq.s32 s15, $0xF;
	s4 =	sor.u32 s0, s3;
	s11 =	smul.u32 $0x13880, s0  }
0xa: {  	s3 =	simm.s32 $0x0;
	s29 =	ssub.s32 $0x2, s0;
	s0 =	smul.u32 $0x9C400, s0  }
0xb: {  	s5 =	smul.u32 $0x500, s4;
	[smem:$0x7FF] =	sst s3;
	s4 =	sadd.s32 $0xE00, s1  }
0xc: {  	s26 =	sshrl.u32 s6, $0x3;
	s8 =	sshrl.u32 s29, $0x1;
	_ =	strace $0x8000004A  }
0xd: {  	s7 =	sadd.s32 s26, s1;
	s12 =	ssub.s32 s29, s8;
	s10 =	sadd.s32 s10, s11  }
0xe: {  	s0 =	sshrl.u32 s0, $0x3;
	s26 =	simm.s32 $0x3;
	s9 =	sadd.s32 s5, s1  }
0xf: {  	s1 =	sadd.s32 $0x3C400, s1;
	s5 =	sadd.s32 s6, s2;
	s6 =	sadd.s32 $0x28800, s7  }
0x10: {  	s7 =	sor.u32 $0x1C05, s30;
	s12 =	smax.u32 s12, $0x1;
	s8 =	sadd.s32 $0x1E800, s9  }
0x11: {  	s9 =	sadd.s32 $0x14800, s9;
	s10 =	sadd.s32 s1, s10;
	s0 =	sadd.s32 s1, s0  }
0x12: {  	s13 =	sshrl.u32 s5, $0x3;
	s11 =	sadd.s32 $0x12840, s0;
	s0 =	sadd.s32 $0x94200, s2  }
0x13: {  	s1 =	simm.s32 $0x4F80;
	s25 =	sshrl.u32 @p0 s0, $0x3;
	s0 =	simm.s32 $0x0  }
.LBB2_1:
0x14: {  	[spmem:s13], [sflag:s7] =	dma.local [hbm:s6], $0x13C0  }
0x15: {  	_ =	swait.ge [sflag:s14], $0x13C0  }
0x16: {  	[sflag:s14] =	ssyncset.done $0x0  }
0x17: {  	[sflag:s14] =	ssyncadd.s32 $0xFFFFEC40  }
0x18: {  	[tilespmem:s3], [sflag:$0x5] =	stream.linear.gather [hbm4b:s8+s3], $0x2800, $0x38;
	[tilespmem:$0x16E00] =	vst v63  }
0x19: {  	_ =	swait.ge [sflag:s14], $0x2800  }
0x1a: {  	[sflag:s14] =	ssyncset.done $0x0  }
0x1b: {  	s15 =	simm.s32 $0x2800;
	[sflag:s14] =	ssyncadd.s32 $0xFFFFD800  }
0x1c: {  	[tilespmem:s15], [sflag:$0x5] =	stream.linear.gather [hbm4b:s9+s3], $0x2800, $0x38;
	[tilespmem:$0x16E00] =	vst v63  }
0x1d: {  	_ =	swait.ge [sflag:s14], $0x2800  }
0x1e: {  	[sflag:s14] =	ssyncset.done $0x0  }
0x1f: {  	[sflag:s14] =	ssyncadd.s32 $0xFFFFD800  }
0x20: {  	[bflag:$0x0] =	sbarrier.arrive $0xFFFF  }
0x21: {  	[tilespmem:s17], [sflag:$0x1] =	stream.indirect.gather [hbm4b:s4+s16], $0x40, s3, s16, $0xb8;
	[tilespmem:$0x16E00] =	vst v63  }
0x22: {  	_ = 	snop  }
0x23: {  	[tilespmem:s18], [sflag:$0x2] =	stream.indirect.gather [hbm4b:s4+s16], $0x40, s16, s16, $0xb8;
	[tilespmem:$0x16E00] =	vst v63  }
0x24: {  	_ = 	snop  }
0x25: {  	[tilespmem:s20], [sflag:$0x3] =	stream.indirect.gather [hbm4b:s4+s16], $0x40, s19, s16, $0xb8;
	[tilespmem:$0x16E00] =	vst v63  }
0x26: {  	_ = 	snop  }
0x27: {  	[tilespmem:s22], [sflag:$0x4] =	stream.indirect.gather [hbm4b:s4+s16], $0x40, s21, s16, $0xb8;
	[tilespmem:$0x16E00] =	vst v63  }
0x28: {  	_ =	swait.ge [sflag:s23], $0x2000  }
0x29: {  	[sflag:s23] =	ssyncset.done $0x0  }
0x2a: {  	s30 =	simm.s32 $0x2800;
	[sflag:s23] =	ssyncadd.s32 $0xFFFFE000  }
0x2b: {  	[spmem:s2] =	stream.indirect.scatter.add.f32 [tilespmem:s17], [sflag:$0x5], $0x40, s30, s16, $0xb8;
	[tilespmem:$0x16E00] =	vst v63  }
0x2c: {  	_ =	swait.ge [sflag:s14], $0x2000  }
0x2d: {  	[sflag:s14] =	ssyncset.done $0x0  }
0x2e: {  	s30 =	simm.s32 $0x200;
	[sflag:s14] =	ssyncadd.s32 $0xFFFFE000  }
0x2f: {  	[tilespmem:s17], [sflag:$0x1] =	stream.indirect.gather [hbm4b:s4+s16], $0x40, s30, s16, $0xb8;
	[tilespmem:$0x16E00] =	vst v63  }
0x30: {  	_ =	swait.ge [sflag:s24], $0x2000  }
0x31: {  	[sflag:s24] =	ssyncset.done $0x0  }
0x32: {  	s30 =	simm.s32 $0x2880;
	[sflag:s24] =	ssyncadd.s32 $0xFFFFE000  }
0x33: {  	[spmem:s2] =	stream.indirect.scatter.add.f32 [tilespmem:s18], [sflag:$0x5], $0x40, s30, s16, $0xb8;
	[tilespmem:$0x16E00] =	vst v63  }
0x34: {  	_ =	swait.ge [sflag:s14], $0x2000  }
0x35: {  	[sflag:s14] =	ssyncset.done $0x0  }
0x36: {  	s30 =	simm.s32 $0x280;
	[sflag:s14] =	ssyncadd.s32 $0xFFFFE000  }
0x37: {  	[tilespmem:s18], [sflag:$0x2] =	stream.indirect.gather [hbm4b:s4+s16], $0x40, s30, s16, $0xb8;
	[tilespmem:$0x16E00] =	vst v63  }
0x38: {  	_ =	swait.ge [sflag:s26], $0x2000  }
0x39: {  	[sflag:s26] =	ssyncset.done $0x0  }
0x3a: {  	s30 =	simm.s32 $0x2900;
	[sflag:s26] =	ssyncadd.s32 $0xFFFFE000  }
0x3b: {  	[spmem:s2] =	stream.indirect.scatter.add.f32 [tilespmem:s20], [sflag:$0x5], $0x40, s30, s16, $0xb8;
	[tilespmem:$0x16E00] =	vst v63  }
0x3c: {  	_ =	swait.ge [sflag:s14], $0x2000  }
0x3d: {  	[sflag:s14] =	ssyncset.done $0x0  }
0x3e: {  	s30 =	simm.s32 $0x300;
	[sflag:s14] =	ssyncadd.s32 $0xFFFFE000  }
0x3f: {  	[tilespmem:s20], [sflag:$0x3] =	stream.indirect.gather [hbm4b:s4+s16], $0x40, s30, s16, $0xb8;
	[tilespmem:$0x16E00] =	vst v63  }
0x40: {  	_ =	swait.ge [sflag:s28], $0x2000  }
0x41: {  	[sflag:s28] =	ssyncset.done $0x0  }
0x42: {  	s30 =	simm.s32 $0x2980;
	[sflag:s28] =	ssyncadd.s32 $0xFFFFE000  }
0x43: {  	[spmem:s2] =	stream.indirect.scatter.add.f32 [tilespmem:s22], [sflag:$0x5], $0x40, s30, s16, $0xb8;
	[tilespmem:$0x16E00] =	vst v63  }
0x44: {  	_ =	swait.ge [sflag:s14], $0x2000  }
0x45: {  	[sflag:s14] =	ssyncset.done $0x0  }
0x46: {  	s29 =	simm.s32 $0x380;
	s15 =	simm.s32 $0x800;
	[sflag:s14] =	ssyncadd.s32 $0xFFFFE000  }
.LBB2_2:
0x47: {  	[tilespmem:s22], [sflag:$0x4] =	stream.indirect.gather [hbm4b:s4+s16], $0x40, s29, s16, $0xb8;
	[tilespmem:$0x16E00] =	vst v63  }
0x48: {  	s29 =	smov.u32 s15  }
0x49: {  	p1 =	sne.s32 s15, $0x9000;
	s15 =	sadd.s32 $0x800, s15;
	_ =	swait.ge [sflag:s23], $0x2000  }
0x4a: {  	s29 =	sshra.s32 s29, $0x2;
	[sflag:s23] =	ssyncset.done $0x0  }
0x4b: {  	s30 =	sadd.s32 $0x2800, s29;
	[sflag:s23] =	ssyncadd.s32 $0xFFFFE000  }
0x4c: {  	[spmem:s2] =	stream.indirect.scatter.add.f32 [tilespmem:s17], [sflag:$0x5], $0x40, s30, s16, $0xb8;
	[tilespmem:$0x16E00] =	vst v63  }
0x4d: {  	_ =	swait.ge [sflag:s14], $0x2000  }
0x4e: {  	[sflag:s14] =	ssyncset.done $0x0  }
0x4f: {  	s30 =	sadd.s32 $0x200, s29;
	[sflag:s14] =	ssyncadd.s32 $0xFFFFE000  }
0x50: {  	[tilespmem:s17], [sflag:$0x1] =	stream.indirect.gather [hbm4b:s4+s16], $0x40, s30, s16, $0xb8;
	[tilespmem:$0x16E00] =	vst v63  }
0x51: {  	_ =	swait.ge [sflag:s24], $0x2000  }
0x52: {  	[sflag:s24] =	ssyncset.done $0x0  }
0x53: {  	s30 =	sadd.s32 $0x2880, s29;
	[sflag:s24] =	ssyncadd.s32 $0xFFFFE000  }
0x54: {  	[spmem:s2] =	stream.indirect.scatter.add.f32 [tilespmem:s18], [sflag:$0x5], $0x40, s30, s16, $0xb8;
	[tilespmem:$0x16E00] =	vst v63  }
0x55: {  	_ =	swait.ge [sflag:s14], $0x2000  }
0x56: {  	[sflag:s14] =	ssyncset.done $0x0  }
0x57: {  	s30 =	sadd.s32 $0x280, s29;
	[sflag:s14] =	ssyncadd.s32 $0xFFFFE000  }
0x58: {  	[tilespmem:s18], [sflag:$0x2] =	stream.indirect.gather [hbm4b:s4+s16], $0x40, s30, s16, $0xb8;
	[tilespmem:$0x16E00] =	vst v63  }
0x59: {  	_ =	swait.ge [sflag:s26], $0x2000  }
0x5a: {  	[sflag:s26] =	ssyncset.done $0x0  }
0x5b: {  	s30 =	sadd.s32 $0x2900, s29;
	[sflag:s26] =	ssyncadd.s32 $0xFFFFE000  }
0x5c: {  	[spmem:s2] =	stream.indirect.scatter.add.f32 [tilespmem:s20], [sflag:$0x5], $0x40, s30, s16, $0xb8;
	[tilespmem:$0x16E00] =	vst v63  }
0x5d: {  	_ =	swait.ge [sflag:s14], $0x2000  }
0x5e: {  	[sflag:s14] =	ssyncset.done $0x0  }
0x5f: {  	s30 =	sadd.s32 $0x300, s29;
	[sflag:s14] =	ssyncadd.s32 $0xFFFFE000  }
0x60: {  	[tilespmem:s20], [sflag:$0x3] =	stream.indirect.gather [hbm4b:s4+s16], $0x40, s30, s16, $0xb8;
	[tilespmem:$0x16E00] =	vst v63  }
0x61: {  	_ =	swait.ge [sflag:s28], $0x2000  }
0x62: {  	[sflag:s28] =	ssyncset.done $0x0  }
.Ltmp0:
0x63: {  	s30 =	sadd.s32 $0x2980, s29;
	[sflag:s28] =	ssyncadd.s32 $0xFFFFE000;
	(pc) =	sbr.rel @p1 .LBB2_2-.Ltmp0, $4  }
0x64: {  	[spmem:s2] =	stream.indirect.scatter.add.f32 [tilespmem:s22], [sflag:$0x5], $0x40, s30, s16, $0xb8;
	[tilespmem:$0x16E00] =	vst v63  }
0x65: {  	_ =	swait.ge [sflag:s14], $0x2000  }
0x66: {  	[sflag:s14] =	ssyncset.done $0x0  }
0x67: {  	s29 =	sadd.s32 $0x380, s29;
	[sflag:s14] =	ssyncadd.s32 $0xFFFFE000  }
0x68: {  	[tilespmem:s22], [sflag:$0x4] =	stream.indirect.gather [hbm4b:s4+s16], $0x40, s29, s16, $0xb8;
	[tilespmem:$0x16E00] =	vst v63  }
0x69: {  	_ =	swait.ge [sflag:s23], $0x2000  }
0x6a: {  	[sflag:s23] =	ssyncset.done $0x0  }
0x6b: {  	s15 =	simm.s32 $0x4E00;
	[sflag:s23] =	ssyncadd.s32 $0xFFFFE000  }
0x6c: {  	[spmem:s2] =	stream.indirect.scatter.add.f32 [tilespmem:s17], [sflag:$0x5], $0x40, s15, s16, $0xb8;
	[tilespmem:$0x16E00] =	vst v63  }
0x6d: {  	_ =	swait.ge [sflag:s14], $0x2000  }
0x6e: {  	[sflag:s14] =	ssyncset.done $0x0  }
0x6f: {  	[sflag:s14] =	ssyncadd.s32 $0xFFFFE000  }
0x70: {  	[tilespmem:s17], [sflag:$0x1] =	stream.indirect.gather [hbm4b:s4+s16], $0x40, s3, s16, $0xb8;
	[tilespmem:$0x16E00] =	vst v63  }
0x71: {  	_ =	swait.ge [sflag:s24], $0x2000  }
0x72: {  	[sflag:s24] =	ssyncset.done $0x0  }
0x73: {  	s30 =	simm.s32 $0x4E80;
	[sflag:s24] =	ssyncadd.s32 $0xFFFFE000  }
0x74: {  	[spmem:s2] =	stream.indirect.scatter.add.f32 [tilespmem:s18], [sflag:$0x5], $0x40, s30, s16, $0xb8;
	[tilespmem:$0x16E00] =	vst v63  }
0x75: {  	_ =	swait.ge [sflag:s14], $0x2000  }
0x76: {  	[sflag:s14] =	ssyncset.done $0x0  }
0x77: {  	[sflag:s14] =	ssyncadd.s32 $0xFFFFE000  }
0x78: {  	[tilespmem:s18], [sflag:$0x2] =	stream.indirect.gather [hbm4b:s4+s16], $0x40, s16, s16, $0xb8;
	[tilespmem:$0x16E00] =	vst v63  }
0x79: {  	_ =	swait.ge [sflag:s26], $0x2000  }
0x7a: {  	[sflag:s26] =	ssyncset.done $0x0  }
0x7b: {  	[sflag:s26] =	ssyncadd.s32 $0xFFFFE000  }
0x7c: {  	[spmem:s2] =	stream.indirect.scatter.add.f32 [tilespmem:s20], [sflag:$0x5], $0x40, s31, s16, $0xb8;
	[tilespmem:$0x16E00] =	vst v63  }
0x7d: {  	_ =	swait.ge [sflag:s14], $0x2000  }
0x7e: {  	[sflag:s14] =	ssyncset.done $0x0  }
0x7f: {  	[sflag:s14] =	ssyncadd.s32 $0xFFFFE000  }
0x80: {  	[tilespmem:s20], [sflag:$0x3] =	stream.indirect.gather [hbm4b:s4+s16], $0x40, s19, s16, $0xb8;
	[tilespmem:$0x16E00] =	vst v63  }
0x81: {  	_ =	swait.ge [sflag:s28], $0x2000  }
0x82: {  	[sflag:s28] =	ssyncset.done $0x0  }
0x83: {  	[sflag:s28] =	ssyncadd.s32 $0xFFFFE000  }
0x84: {  	[spmem:s2] =	stream.indirect.scatter.add.f32 [tilespmem:s22], [sflag:$0x5], $0x40, s1, s16, $0xb8;
	[tilespmem:$0x16E00] =	vst v63  }
0x85: {  	_ =	swait.ge [sflag:s14], $0x2000  }
0x86: {  	[sflag:s14] =	ssyncset.done $0x0  }
0x87: {  	[sflag:s14] =	ssyncadd.s32 $0xFFFFE000  }
0x88: {  	[tilespmem:s22], [sflag:$0x4] =	stream.indirect.gather [hbm4b:s4+s16], $0x40, s21, s16, $0xb8;
	[tilespmem:$0x16E00] =	vst v63  }
0x89: {  	_ =	swait.ge [sflag:s23], $0x2000  }
0x8a: {  	[sflag:s23] =	ssyncset.done $0x0  }
0x8b: {  	[sflag:s23] =	ssyncadd.s32 $0xFFFFE000  }
0x8c: {  	_ =	swait.ge [sflag:s24], $0x2000  }
0x8d: {  	[sflag:s24] =	ssyncset.done $0x0  }
0x8e: {  	[sflag:s24] =	ssyncadd.s32 $0xFFFFE000  }
0x8f: {  	_ =	swait.ge [sflag:s26], $0x2000  }
0x90: {  	[sflag:s26] =	ssyncset.done $0x0  }
0x91: {  	[sflag:s26] =	ssyncadd.s32 $0xFFFFE000  }
0x92: {  	_ =	swait.ge [sflag:s28], $0x2000  }
0x93: {  	[sflag:s28] =	ssyncset.done $0x0  }
0x94: {  	[sflag:s28] =	ssyncadd.s32 $0xFFFFE000  }
0x95: {  	s15 =	simm.s32 @p0 $0x5;
	[bflag:$0x0] =	sbarrier.arrive $0xFFFF  }
0x96: {  	[hbm:s11], [sflag:s7] =	dma.local @p0 [spmem:s25], $0x1040  }
0x97: {  	_ =	swait.ge @p0 [sflag:s15], $0x1040  }
0x98: {  	s0 =	sadd.s32 $0x1, s0;
	[sflag:s15] =	ssyncset.done @p0 $0x0  }
0x99: {  	p1 =	sne.s32 s0, s12;
	[sflag:s15] =	ssyncadd.s32 @p0 $0xFFFFEFC0;
	s15 =	sshrl.u32 @!p0 s5, $0x3  }
0x9a: {  	[hbm:s10], [sflag:s7] =	dma.local @!p0 [spmem:s15], $0x13C0  }
.Ltmp1:
0x9b: {  	_ = 	snop;
	(pc) =	sbr.rel @p1 .LBB2_1-.Ltmp1, $4  }
0x9c: {  	s15 =	simm.s32 @!p0 $0x5  }
0x9d: {  	_ =	swait.ge @!p0 [sflag:s15], $0x13C0  }
0x9e: {  	[sflag:s15] =	ssyncset.done @!p0 $0x0  }
0x9f: {  	[sflag:s15] =	ssyncadd.s32 @!p0 $0xFFFFEC40  }
0xa0: {  	_ =	sfence.sel $0x180000  }
0xa1: {  	[bflag:$0x0] =	sbarrier.arrive $0xFFFF  }
0xa2: {  	_ =	strace $0x9000004A  }
0xa3: {  	s0 =	stileid.u32;
	[bflag:$0x2] =	sbarrier.arrive $0xFFFF  }
0xa4: {  	p0 =	sne.s32 s0, $0x0;
	s0 =	rddreg [dreg:$0x2]  }
0xa5: {  	s0 =	sadd.s32 @!p0 $0x100000, s0  }
0xa6: {  	[sflag:s0] =	ssyncadd.tile.s32 @!p0 $0x1;
	_ =	shalt  }
.Lfunc_end2:
_tile_overlayer_lowered:
.L_overlay_start_2:
0xa7: {  	(tag) =	ssettag $0x2  }
0xa8: {  	s0 =	rddreg [dreg:$0x0];
	s2 =	stileid.u32  }
0xa9: {  	s1 =	rddreg [dreg:$0x1];
	p0 =	sne.s32 s2, $0x0  }
0xaa: {  	s3 =	rddreg [dreg:$0x2];
	[bflag:$0x3] =	sbarrier.arrive $0xFFFF;
	s2 =	simm.s32 @!p0 $0x1C05  }
0xab: {  	[timem:s3], [sflag:s2] =	dma.local @!p0 [hbm:s0], s1  }
0xac: {  	s0 =	simm.s32 @!p0 $0x5  }
0xad: {  	_ =	swait.ge @!p0 [sflag:s0], s1  }
0xae: {  	s1 =	ssub.s32 @!p0 $0x0, s1;
	[sflag:s0] =	ssyncset.done @!p0 $0x0  }
0xaf: {  	[sflag:s0] =	ssyncadd.s32 @!p0 s1  }
0xb0: {  	[bflag:$0x3] =	sbarrier.arrive $0xFFFF  }
0xb1: {  	_ =	shalt  }

// kernel: kernel.7.cloned.1.call-start
scs
__scs_entry_jumppad:
0x0: {  	(pc) =	sbr.rel $0x88, $3  }
0x1: {  	(tag) =	ssettag $0x0;
	lr =	simm.s32 $0x1  }
0x2: {  	[smem:$0x3F94] =	sst lr;
	_ =	strace $0xD0000000  }
0x3: {  	_ = 	snop  }
0x4: {  	_ = 	snop  }
0x5: {  	_ = 	snop  }
0x6: {  	_ = 	snop  }
0x7: {  	_ = 	snop  }
__scs_overlays_trampoline_lowered:
0x8: {  	[smem:$0x3FA3] =	sst s0  }
0x9: {  	[smem:$0x3FA4] =	sst s1  }
0xa: {  	[smem:$0x3FA5] =	sst s2  }
0xb: {  	[smem:$0x3FA6] =	sst s3  }
0xc: {  	[smem:$0x3FA7] =	sst s4  }
0xd: {  	[smem:$0x3FA8] =	sst s5  }
0xe: {  	[smem:$0x3FA9] =	sst s6  }
0xf: {  	[smem:$0x3FAA] =	sst s7  }
0x10: {  	[smem:$0x3FAB] =	sst s8  }
0x11: {  	[smem:$0x3FAC] =	sst s9;
	s0 =	simm.s32 @!p0 $0x0  }
0x12: {  	s1 =	sld [smem:$0x3F92];
	s0 =	simm.s32 @p0 $0x1  }
0x13: {  	[smem:$0x3FAD] =	sst s0;
	s0 =	simm.s32 @!p1 $0x0  }
0x14: {  	s2 =	sld [smem:$0x3F91];
	s0 =	simm.s32 @p1 $0x1  }
0x15: {  	[smem:$0x3FAE] =	sst s0;
	s0 =	simm.s32 @!p2 $0x0  }
0x16: {  	s3 =	sld [smem:$0x3FDB];
	s0 =	simm.s32 @p2 $0x1  }
0x17: {  	s4 =	simm.s32 $0x1BF5;
	[smem:$0x3FB0] =	sst s0  }
0x18: {  	s0 =	sld [smem:$0x3F93];
	_ =	swait.ge [sflag:s4], $0x0  }
0x19: {  	s7 =	sld [smem:$0x3F94]  }
0x1a: {  	s8 =	sadd.s32 $0xFFFFE003, lr  }
0x1b: {  	s9 =	sadd.s32 $0xFFFFFEF7, lr;
	s5 =	simm.s32 $0xFFFFFFFF;
	p2 =	slt.u32 s8, $0xFFFFF086  }
0x1c: {  	p1 =	slt.u32 s9, $0xF7A;
	s5 =	simm.s32 @!p2 $0x0  }
0x1d: {  	s5 =	simm.s32 @p1 $0x1;
	p0 =	seq.s32 s7, s2  }
0x1e: {  	s7 =	smul.u32 @!p0 $0xF7A, s2;
	p2 =	seq.s32 @!p0 s5, $0x0  }
0x1f: {  	s9 =	smul.u32 $0xF7A, s1;
	s8 =	simm.s32 @!p0 $0x1BF5;
	p2 =	por !p2, p0  }
0x20: {  	[sflag:s8] =	ssyncset.s32 @!p0 $0xFFFFF086;
	s6 =	sadd.s32 @!p0 s3, s7;
	s7 =	simm.s32 @!p0 $0x108  }
0x21: {  	s3 =	sadd.s32 s3, s9;
	s6 =	sadd.s32 @!p0 $0x88, s6;
	s7 =	simm.s32 @p2 $0x1082  }
0x22: {  	[simem:s7], [sflag:s8] =	dma.local @!p0 [hbm:s6], $0xF7A  }
0x23: {  	s9 =	sor.u32 $0xD0000000, s2;
	s6 =	simm.s32 $0x108;
	_ =	swait.ge @!p0 [sflag:s8], $0x0  }
0x24: {  	s3 =	sadd.s32 $0x88, s3;
	s6 =	simm.s32 @!p1 $0x1082;
	[sflag:s4] =	ssyncset.s32 $0xFFFFF086  }
0x25: {  	[simem:s6], [sflag:s4] =	dma.local [hbm:s3], $0xF7A  }
0x26: {  	[smem:$0x3F94] =	sst s1;
	(tag) =	ssettag s2;
	_ =	strace s9  }
0x27: {  	s1 =	sld [smem:$0x3FA4]  }
0x28: {  	s2 =	sld [smem:$0x3FA5]  }
0x29: {  	s4 =	sld [smem:$0x3FA7]  }
0x2a: {  	p0 =	seq.s32 s5, $0x0;
	s5 =	sld [smem:$0x3FA8]  }
0x2b: {  	s6 =	sld [smem:$0x3FA9]  }
0x2c: {  	s7 =	sld [smem:$0x3FAA]  }
0x2d: {  	s3 =	simm.s32 $0x108;
	s8 =	sld [smem:$0x3FAB]  }
0x2e: {  	s3 =	simm.s32 @!p0 $0x1082;
	s9 =	sld [smem:$0x3FAC]  }
0x2f: {  	lr =	sadd.s32 s0, s3;
	s0 =	sld [smem:$0x3FA3]  }
0x30: {  	s3 =	sld [smem:$0x3FA6]  }
0x31: {  	[smem:$0x3FAF] =	sst s10  }
0x32: {  	s10 =	sld [smem:$0x3FAD];
	_ =	sdelay $0x3  }
0x33: {  	p0 =	seq.s32 s10, $0x1;
	s10 =	sld [smem:$0x3FAF];
	_ =	sdelay $0x3  }
0x34: {  	[smem:$0x3FAF] =	sst s10  }
0x35: {  	s10 =	sld [smem:$0x3FAE];
	_ =	sdelay $0x3  }
0x36: {  	p1 =	seq.s32 s10, $0x1;
	s10 =	sld [smem:$0x3FAF];
	_ =	sdelay $0x3  }
0x37: {  	[smem:$0x3FAF] =	sst s10  }
0x38: {  	s10 =	sld [smem:$0x3FB0]  }
0x39: {  	_ = 	snop;
	(pc) =	sbr.ind lr, $3  }
0x3a: {  	_ = 	snop  }
0x3b: {  	_ = 	snop  }
0x3c: {  	p2 =	seq.s32 s10, $0x1;
	s10 =	sld [smem:$0x3FAF]  }
0x3d: {  	_ =	shalt  }
0x3e: {  	_ =	shalt  }
0x3f: {  	_ =	shalt  }
0x40: {  	_ =	shalt  }
0x41: {  	_ =	shalt  }
0x42: {  	_ =	shalt  }
0x43: {  	_ =	shalt  }
0x44: {  	_ =	shalt  }
0x45: {  	_ =	shalt  }
0x46: {  	_ =	shalt  }
0x47: {  	_ =	shalt  }
0x48: {  	_ =	shalt  }
0x49: {  	_ =	shalt  }
0x4a: {  	_ =	shalt  }
0x4b: {  	_ =	shalt  }
0x4c: {  	_ =	shalt  }
0x4d: {  	_ =	shalt  }
0x4e: {  	_ =	shalt  }
0x4f: {  	_ =	shalt  }
0x50: {  	_ =	shalt  }
0x51: {  	_ =	shalt  }
0x52: {  	_ =	shalt  }
0x53: {  	_ =	shalt  }
0x54: {  	_ =	shalt  }
0x55: {  	_ =	shalt  }
0x56: {  	_ =	shalt  }
0x57: {  	_ =	shalt  }
0x58: {  	_ =	shalt  }
0x59: {  	_ =	shalt  }
0x5a: {  	_ =	shalt  }
0x5b: {  	_ =	shalt  }
0x5c: {  	_ =	shalt  }
0x5d: {  	_ =	shalt  }
0x5e: {  	_ =	shalt  }
0x5f: {  	_ =	shalt  }
0x60: {  	_ =	shalt  }
0x61: {  	_ =	shalt  }
0x62: {  	_ =	shalt  }
0x63: {  	_ =	shalt  }
0x64: {  	_ =	shalt  }
0x65: {  	_ =	shalt  }
0x66: {  	_ =	shalt  }
0x67: {  	_ =	shalt  }
0x68: {  	_ =	shalt  }
0x69: {  	_ =	shalt  }
0x6a: {  	_ =	shalt  }
0x6b: {  	_ =	shalt  }
0x6c: {  	_ =	shalt  }
0x6d: {  	_ =	shalt  }
0x6e: {  	_ =	shalt  }
0x6f: {  	_ =	shalt  }
0x70: {  	_ =	shalt  }
0x71: {  	_ =	shalt  }
0x72: {  	_ =	shalt  }
0x73: {  	_ =	shalt  }
0x74: {  	_ =	shalt  }
0x75: {  	_ =	shalt  }
0x76: {  	_ =	shalt  }
0x77: {  	_ =	shalt  }
0x78: {  	_ =	shalt  }
0x79: {  	_ =	shalt  }
0x7a: {  	_ =	shalt  }
0x7b: {  	_ =	shalt  }
0x7c: {  	_ =	shalt  }
0x7d: {  	_ =	shalt  }
0x7e: {  	_ =	shalt  }
0x7f: {  	_ =	shalt  }
0x80: {  	_ =	shalt  }
0x81: {  	_ =	shalt  }
0x82: {  	_ =	shalt  }
0x83: {  	_ =	shalt  }
0x84: {  	_ =	shalt  }
0x85: {  	_ =	shalt  }
0x86: {  	_ =	shalt  }
0x87: {  	_ =	shalt  }
.Lfunc_end0:
.L_simem_size_0:
called_computation_lowered:
.L_overlay_start_0:
0x88: {  	s2 =	sld [smem:$0x3FD9]  }
0x89: {  	s3 =	sld [smem:$0x3FFE];
	_ =	sdelay $0x1  }
0x8a: {  	s1 =	srdreg.scid  }
0x8b: {  	s0 =	sand.u32 $0x1, s1  }
0x8c: {  	s16 =	sshll.u32 s0, $0xA;
	s2 =	sadd.s32 s3, s2  }
0x8d: {  	s2 =	sadd.s32 s2, s16  }
0x8e: {  	[smem:$0x3FBB] =	sst s2  }
0x8f: {  	_ = 	snop  }
0x90: {  	(tm) =	ssettm $0x1  }
0x91: {  	s17 =	sld [smem:$0x3FFB];
	_ =	sdelay $0x3  }
0x92: {  	_ =	strace s17  }
0x93: {  	s2 =	sld [smem:$0x3FFC];
	_ =	sdelay $0x3  }
0x94: {  	_ =	strace s2  }
0x95: {  	s2 =	sld [smem:$0x3FFD];
	_ =	sdelay $0x3  }
0x96: {  	_ =	strace s2  }
0x97: {  	_ =	strace $0x8FFFFFFF  }
0x98: {  	s18 =	sld [smem:$0x3FDB];
	_ =	sdelay $0x1  }
0x99: {  	s19 =	simm.s32 $_scs_section_size  }
0x9a: {  	s4 =	simm.s32 $_size__tile_overlayer_lowered;
	s5 =	simm.s32 $_tile_overlayer_lowered  }
0x9b: {  	s22 =	simm.s32 $0x1BFF;
	s21 =	sshll.u32 s5, $0x1;
	s2 =	sadd.s32 s19, s18  }
0x9c: {  	s6 =	simm.s32 $0x0;
	s20 =	sshll.u32 s4, $0x1;
	s4 =	sadd.s32 s21, s2  }
0x9d: {  	[timem:s6], [sflag:s22] =	dma.local [hbm:s4], s20  }
0x9e: {  	_ =	swait.ge [sflag:s22], s20  }
0x9f: {  	s3 =	ssub.s32 $0x0, s20;
	[sflag:s22] =	ssyncset.done $0x0  }
0xa0: {  	[sflag:s22] =	ssyncadd.s32 s3;
	_ =	sdelay $0x1  }
0xa1: {  	s23 =	simm.s32 $0x1B8B  }
0xa2: {  	_ =	swait.ge [sflag:s23], $0x1  }
0xa3: {  	[sflag:s23] =	ssyncset.done $0x0  }
0xa4: {  	s25 =	simm.s32 $0x1B8E;
	s24 =	sld [smem:$0x3FFE];
	[sflag:s23] =	ssyncadd.s32 $0xFFFFFFFF  }
0xa5: {  	s26 =	simm.s32 $execute0_lowered;
	[smem:$0x3FD2] =	sst s25  }
0xa6: {  	s4 =	sshll.u32 s26, $0x1;
	_ =	strace $0x80000046;
	[dreg:$0x1] =	wrdreg $0xFFFFFFFF  }
0xa7: {  	s28 =	simm.s32 $_size_execute0_lowered;
	s2 =	sadd.s32 s2, s4;
	[dreg:$0x0] =	wrdreg $0x0  }
0xa8: {  	s4 =	sshll.u32 s28, $0x1;
	[dreg:$0x2] =	wrdreg s2  }
0xa9: {  	[dreg:$0x3] =	wrdreg s4  }
0xaa: {  	[dreg:$0x4] =	wrdreg $0xC0  }
0xab: {  	_ =	task [dreg:s6], $0x5FFFF  }
0xac: {  	[dreg:$0x1] =	wrdreg $0xFFFFFFFF  }
0xad: {  	[dreg:$0x0] =	wrdreg $0x60  }
0xae: {  	[dreg:$0x2] =	wrdreg s24  }
0xaf: {  	[dreg:$0x3] =	wrdreg $0xD0000  }
0xb0: {  	[dreg:$0x4] =	wrdreg $0x9  }
0xb1: {  	_ =	task.clear_ibuf [dreg:s6], $0x5FFFF;
	_ =	strace $0x90000046  }
0xb2: {  	s29 =	simm.s32 $0x9;
	_ =	strace $0x80000048  }
0xb3: {  	_ =	swait.ge [sflag:s29], $0x1  }
0xb4: {  	[sflag:s29] =	ssyncadd.s32 $0xFFFFFFFF  }
0xb5: {  	_ =	strace $0x90000048  }
0xb6: {  	_ =	sfence  }
0xb7: {  	s30 =	sld [smem:$0x0];
	_ =	sdelay $0x2  }
0xb8: {  	s31 =	sshll.u32 s1, $0xD;
	s1 =	sshrl.u32 s1, $0x2  }
0xb9: {  	s3 =	sand.u32 $0x4000, s31;
	s1 =	sadd.s32 s1, s30  }
0xba: {  	s0 =	sor.u32 s3, s0;
	s1 =	sshll.u32 s1, $0x11  }
0xbb: {  	s0 =	sor.u32 s1, s0  }
0xbc: {  	s0 =	sadd.s32 $0x8F2B, s0  }
0xbd: {  	[sflag:s0] =	ssyncadd.remote.s32 $0x1  }
0xbe: {  	_ =	sfence.sel $0xFFFF  }
0xbf: {  	[dreg:$0x0] =	wrdreg $0xFFFFFFFF;
	(pc) =	sbr.abs _section_cstart, $3  }
0xc0: {  	[dreg:$0x1] =	wrdreg $0xFFFFFFFF  }
0xc1: {  	_ =	task.clear_ibuf [dreg:s6], $0x2FFFF;
	_ =	strace $0x9FFFFFFF  }
0xc2: {  	(tm) =	ssettm $0x7FFFFFFF  }
0xc3: {  	_ =	shalt  }
tec
execute0_lowered:
.L_overlay_start_1:
0x0: {  	(tag) =	ssettag $0x1  }
0x1: {  	s0 =	srdreg.scid  }
0x2: {  	s15 =	stileid.u32;
	s1 =	rddreg [dreg:$0x0]  }
0x3: {  	s2 =	rddreg [dreg:$0x1];
	s14 =	simm.s32 $0x5;
	s16 =	simm.s32 $0x80  }
0x4: {  	s17 =	simm.s32 $0x5000;
	s18 =	simm.s32 $0x7000;
	s19 =	simm.s32 $0x100  }
0x5: {  	s20 =	simm.s32 $0x9000;
	s21 =	simm.s32 $0x180;
	s22 =	simm.s32 $0xB000  }
0x6: {  	s23 =	simm.s32 $0x1;
	s24 =	simm.s32 $0x2;
	s28 =	simm.s32 $0x4  }
0x7: {  	s31 =	simm.s32 $0x4F00;
	s0 =	sand.u32 $0x1, s0;
	s6 =	smul.u32 $0x9E00, s15  }
0x8: {  	s3 =	sshll.u32 s15, $0x1;
	s10 =	smul.u32 $0x13C0, s15;
	s30 =	sshll.u32 s15, $0x6  }
0x9: {  	p0 =	seq.s32 s15, $0xF;
	s4 =	sor.u32 s0, s3;
	s11 =	smul.u32 $0x13880, s0  }
0xa: {  	s3 =	simm.s32 $0x0;
	s29 =	ssub.s32 $0x2, s0;
	s0 =	smul.u32 $0x9C400, s0  }
0xb: {  	s5 =	smul.u32 $0x500, s4;
	[smem:$0x7FF] =	sst s3;
	s4 =	sadd.s32 $0xE00, s1  }
0xc: {  	s26 =	sshrl.u32 s6, $0x3;
	s8 =	sshrl.u32 s29, $0x1;
	_ =	strace $0x80000047  }
0xd: {  	s7 =	sadd.s32 s26, s1;
	s12 =	ssub.s32 s29, s8;
	s10 =	sadd.s32 s10, s11  }
0xe: {  	s0 =	sshrl.u32 s0, $0x3;
	s26 =	simm.s32 $0x3;
	s9 =	sadd.s32 s5, s1  }
0xf: {  	s1 =	sadd.s32 $0x3C400, s1;
	s5 =	sadd.s32 s6, s2;
	s6 =	sadd.s32 $0x28800, s7  }
0x10: {  	s7 =	sor.u32 $0x1C05, s30;
	s12 =	smax.u32 s12, $0x1;
	s8 =	sadd.s32 $0x1E800, s9  }
0x11: {  	s9 =	sadd.s32 $0x14800, s9;
	s10 =	sadd.s32 s1, s10;
	s0 =	sadd.s32 s1, s0  }
0x12: {  	s13 =	sshrl.u32 s5, $0x3;
	s11 =	sadd.s32 $0x12840, s0;
	s0 =	sadd.s32 $0x94200, s2  }
0x13: {  	s1 =	simm.s32 $0x4F80;
	s25 =	sshrl.u32 @p0 s0, $0x3;
	s0 =	simm.s32 $0x0  }
.LBB2_1:
0x14: {  	[spmem:s13], [sflag:s7] =	dma.local [hbm:s6], $0x13C0  }
0x15: {  	_ =	swait.ge [sflag:s14], $0x13C0  }
0x16: {  	[sflag:s14] =	ssyncset.done $0x0  }
0x17: {  	[sflag:s14] =	ssyncadd.s32 $0xFFFFEC40  }
0x18: {  	[tilespmem:s3], [sflag:$0x5] =	stream.linear.gather [hbm4b:s8+s3], $0x2800, $0x38;
	[tilespmem:$0x16E00] =	vst v63  }
0x19: {  	_ =	swait.ge [sflag:s14], $0x2800  }
0x1a: {  	[sflag:s14] =	ssyncset.done $0x0  }
0x1b: {  	s15 =	simm.s32 $0x2800;
	[sflag:s14] =	ssyncadd.s32 $0xFFFFD800  }
0x1c: {  	[tilespmem:s15], [sflag:$0x5] =	stream.linear.gather [hbm4b:s9+s3], $0x2800, $0x38;
	[tilespmem:$0x16E00] =	vst v63  }
0x1d: {  	_ =	swait.ge [sflag:s14], $0x2800  }
0x1e: {  	[sflag:s14] =	ssyncset.done $0x0  }
0x1f: {  	[sflag:s14] =	ssyncadd.s32 $0xFFFFD800  }
0x20: {  	[bflag:$0x0] =	sbarrier.arrive $0xFFFF  }
0x21: {  	[tilespmem:s17], [sflag:$0x1] =	stream.indirect.gather [hbm4b:s4+s16], $0x40, s3, s16, $0xb8;
	[tilespmem:$0x16E00] =	vst v63  }
0x22: {  	_ = 	snop  }
0x23: {  	[tilespmem:s18], [sflag:$0x2] =	stream.indirect.gather [hbm4b:s4+s16], $0x40, s16, s16, $0xb8;
	[tilespmem:$0x16E00] =	vst v63  }
0x24: {  	_ = 	snop  }
0x25: {  	[tilespmem:s20], [sflag:$0x3] =	stream.indirect.gather [hbm4b:s4+s16], $0x40, s19, s16, $0xb8;
	[tilespmem:$0x16E00] =	vst v63  }
0x26: {  	_ = 	snop  }
0x27: {  	[tilespmem:s22], [sflag:$0x4] =	stream.indirect.gather [hbm4b:s4+s16], $0x40, s21, s16, $0xb8;
	[tilespmem:$0x16E00] =	vst v63  }
0x28: {  	_ =	swait.ge [sflag:s23], $0x2000  }
0x29: {  	[sflag:s23] =	ssyncset.done $0x0  }
0x2a: {  	s30 =	simm.s32 $0x2800;
	[sflag:s23] =	ssyncadd.s32 $0xFFFFE000  }
0x2b: {  	[spmem:s2] =	stream.indirect.scatter.add.f32 [tilespmem:s17], [sflag:$0x5], $0x40, s30, s16, $0xb8;
	[tilespmem:$0x16E00] =	vst v63  }
0x2c: {  	_ =	swait.ge [sflag:s14], $0x2000  }
0x2d: {  	[sflag:s14] =	ssyncset.done $0x0  }
0x2e: {  	s30 =	simm.s32 $0x200;
	[sflag:s14] =	ssyncadd.s32 $0xFFFFE000  }
0x2f: {  	[tilespmem:s17], [sflag:$0x1] =	stream.indirect.gather [hbm4b:s4+s16], $0x40, s30, s16, $0xb8;
	[tilespmem:$0x16E00] =	vst v63  }
0x30: {  	_ =	swait.ge [sflag:s24], $0x2000  }
0x31: {  	[sflag:s24] =	ssyncset.done $0x0  }
0x32: {  	s30 =	simm.s32 $0x2880;
	[sflag:s24] =	ssyncadd.s32 $0xFFFFE000  }
0x33: {  	[spmem:s2] =	stream.indirect.scatter.add.f32 [tilespmem:s18], [sflag:$0x5], $0x40, s30, s16, $0xb8;
	[tilespmem:$0x16E00] =	vst v63  }
0x34: {  	_ =	swait.ge [sflag:s14], $0x2000  }
0x35: {  	[sflag:s14] =	ssyncset.done $0x0  }
0x36: {  	s30 =	simm.s32 $0x280;
	[sflag:s14] =	ssyncadd.s32 $0xFFFFE000  }
0x37: {  	[tilespmem:s18], [sflag:$0x2] =	stream.indirect.gather [hbm4b:s4+s16], $0x40, s30, s16, $0xb8;
	[tilespmem:$0x16E00] =	vst v63  }
0x38: {  	_ =	swait.ge [sflag:s26], $0x2000  }
0x39: {  	[sflag:s26] =	ssyncset.done $0x0  }
0x3a: {  	s30 =	simm.s32 $0x2900;
	[sflag:s26] =	ssyncadd.s32 $0xFFFFE000  }
0x3b: {  	[spmem:s2] =	stream.indirect.scatter.add.f32 [tilespmem:s20], [sflag:$0x5], $0x40, s30, s16, $0xb8;
	[tilespmem:$0x16E00] =	vst v63  }
0x3c: {  	_ =	swait.ge [sflag:s14], $0x2000  }
0x3d: {  	[sflag:s14] =	ssyncset.done $0x0  }
0x3e: {  	s30 =	simm.s32 $0x300;
	[sflag:s14] =	ssyncadd.s32 $0xFFFFE000  }
0x3f: {  	[tilespmem:s20], [sflag:$0x3] =	stream.indirect.gather [hbm4b:s4+s16], $0x40, s30, s16, $0xb8;
	[tilespmem:$0x16E00] =	vst v63  }
0x40: {  	_ =	swait.ge [sflag:s28], $0x2000  }
0x41: {  	[sflag:s28] =	ssyncset.done $0x0  }
0x42: {  	s30 =	simm.s32 $0x2980;
	[sflag:s28] =	ssyncadd.s32 $0xFFFFE000  }
0x43: {  	[spmem:s2] =	stream.indirect.scatter.add.f32 [tilespmem:s22], [sflag:$0x5], $0x40, s30, s16, $0xb8;
	[tilespmem:$0x16E00] =	vst v63  }
0x44: {  	_ =	swait.ge [sflag:s14], $0x2000  }
0x45: {  	[sflag:s14] =	ssyncset.done $0x0  }
0x46: {  	s29 =	simm.s32 $0x380;
	s15 =	simm.s32 $0x800;
	[sflag:s14] =	ssyncadd.s32 $0xFFFFE000  }
.LBB2_2:
0x47: {  	[tilespmem:s22], [sflag:$0x4] =	stream.indirect.gather [hbm4b:s4+s16], $0x40, s29, s16, $0xb8;
	[tilespmem:$0x16E00] =	vst v63  }
0x48: {  	s29 =	smov.u32 s15  }
0x49: {  	p1 =	sne.s32 s15, $0x9000;
	s15 =	sadd.s32 $0x800, s15;
	_ =	swait.ge [sflag:s23], $0x2000  }
0x4a: {  	s29 =	sshra.s32 s29, $0x2;
	[sflag:s23] =	ssyncset.done $0x0  }
0x4b: {  	s30 =	sadd.s32 $0x2800, s29;
	[sflag:s23] =	ssyncadd.s32 $0xFFFFE000  }
0x4c: {  	[spmem:s2] =	stream.indirect.scatter.add.f32 [tilespmem:s17], [sflag:$0x5], $0x40, s30, s16, $0xb8;
	[tilespmem:$0x16E00] =	vst v63  }
0x4d: {  	_ =	swait.ge [sflag:s14], $0x2000  }
0x4e: {  	[sflag:s14] =	ssyncset.done $0x0  }
0x4f: {  	s30 =	sadd.s32 $0x200, s29;
	[sflag:s14] =	ssyncadd.s32 $0xFFFFE000  }
0x50: {  	[tilespmem:s17], [sflag:$0x1] =	stream.indirect.gather [hbm4b:s4+s16], $0x40, s30, s16, $0xb8;
	[tilespmem:$0x16E00] =	vst v63  }
0x51: {  	_ =	swait.ge [sflag:s24], $0x2000  }
0x52: {  	[sflag:s24] =	ssyncset.done $0x0  }
0x53: {  	s30 =	sadd.s32 $0x2880, s29;
	[sflag:s24] =	ssyncadd.s32 $0xFFFFE000  }
0x54: {  	[spmem:s2] =	stream.indirect.scatter.add.f32 [tilespmem:s18], [sflag:$0x5], $0x40, s30, s16, $0xb8;
	[tilespmem:$0x16E00] =	vst v63  }
0x55: {  	_ =	swait.ge [sflag:s14], $0x2000  }
0x56: {  	[sflag:s14] =	ssyncset.done $0x0  }
0x57: {  	s30 =	sadd.s32 $0x280, s29;
	[sflag:s14] =	ssyncadd.s32 $0xFFFFE000  }
0x58: {  	[tilespmem:s18], [sflag:$0x2] =	stream.indirect.gather [hbm4b:s4+s16], $0x40, s30, s16, $0xb8;
	[tilespmem:$0x16E00] =	vst v63  }
0x59: {  	_ =	swait.ge [sflag:s26], $0x2000  }
0x5a: {  	[sflag:s26] =	ssyncset.done $0x0  }
0x5b: {  	s30 =	sadd.s32 $0x2900, s29;
	[sflag:s26] =	ssyncadd.s32 $0xFFFFE000  }
0x5c: {  	[spmem:s2] =	stream.indirect.scatter.add.f32 [tilespmem:s20], [sflag:$0x5], $0x40, s30, s16, $0xb8;
	[tilespmem:$0x16E00] =	vst v63  }
0x5d: {  	_ =	swait.ge [sflag:s14], $0x2000  }
0x5e: {  	[sflag:s14] =	ssyncset.done $0x0  }
0x5f: {  	s30 =	sadd.s32 $0x300, s29;
	[sflag:s14] =	ssyncadd.s32 $0xFFFFE000  }
0x60: {  	[tilespmem:s20], [sflag:$0x3] =	stream.indirect.gather [hbm4b:s4+s16], $0x40, s30, s16, $0xb8;
	[tilespmem:$0x16E00] =	vst v63  }
0x61: {  	_ =	swait.ge [sflag:s28], $0x2000  }
0x62: {  	[sflag:s28] =	ssyncset.done $0x0  }
.Ltmp0:
0x63: {  	s30 =	sadd.s32 $0x2980, s29;
	[sflag:s28] =	ssyncadd.s32 $0xFFFFE000;
	(pc) =	sbr.rel @p1 .LBB2_2-.Ltmp0, $4  }
0x64: {  	[spmem:s2] =	stream.indirect.scatter.add.f32 [tilespmem:s22], [sflag:$0x5], $0x40, s30, s16, $0xb8;
	[tilespmem:$0x16E00] =	vst v63  }
0x65: {  	_ =	swait.ge [sflag:s14], $0x2000  }
0x66: {  	[sflag:s14] =	ssyncset.done $0x0  }
0x67: {  	s29 =	sadd.s32 $0x380, s29;
	[sflag:s14] =	ssyncadd.s32 $0xFFFFE000  }
0x68: {  	[tilespmem:s22], [sflag:$0x4] =	stream.indirect.gather [hbm4b:s4+s16], $0x40, s29, s16, $0xb8;
	[tilespmem:$0x16E00] =	vst v63  }
0x69: {  	_ =	swait.ge [sflag:s23], $0x2000  }
0x6a: {  	[sflag:s23] =	ssyncset.done $0x0  }
0x6b: {  	s15 =	simm.s32 $0x4E00;
	[sflag:s23] =	ssyncadd.s32 $0xFFFFE000  }
0x6c: {  	[spmem:s2] =	stream.indirect.scatter.add.f32 [tilespmem:s17], [sflag:$0x5], $0x40, s15, s16, $0xb8;
	[tilespmem:$0x16E00] =	vst v63  }
0x6d: {  	_ =	swait.ge [sflag:s14], $0x2000  }
0x6e: {  	[sflag:s14] =	ssyncset.done $0x0  }
0x6f: {  	[sflag:s14] =	ssyncadd.s32 $0xFFFFE000  }
0x70: {  	[tilespmem:s17], [sflag:$0x1] =	stream.indirect.gather [hbm4b:s4+s16], $0x40, s3, s16, $0xb8;
	[tilespmem:$0x16E00] =	vst v63  }
0x71: {  	_ =	swait.ge [sflag:s24], $0x2000  }
0x72: {  	[sflag:s24] =	ssyncset.done $0x0  }
0x73: {  	s30 =	simm.s32 $0x4E80;
	[sflag:s24] =	ssyncadd.s32 $0xFFFFE000  }
0x74: {  	[spmem:s2] =	stream.indirect.scatter.add.f32 [tilespmem:s18], [sflag:$0x5], $0x40, s30, s16, $0xb8;
	[tilespmem:$0x16E00] =	vst v63  }
0x75: {  	_ =	swait.ge [sflag:s14], $0x2000  }
0x76: {  	[sflag:s14] =	ssyncset.done $0x0  }
0x77: {  	[sflag:s14] =	ssyncadd.s32 $0xFFFFE000  }
0x78: {  	[tilespmem:s18], [sflag:$0x2] =	stream.indirect.gather [hbm4b:s4+s16], $0x40, s16, s16, $0xb8;
	[tilespmem:$0x16E00] =	vst v63  }
0x79: {  	_ =	swait.ge [sflag:s26], $0x2000  }
0x7a: {  	[sflag:s26] =	ssyncset.done $0x0  }
0x7b: {  	[sflag:s26] =	ssyncadd.s32 $0xFFFFE000  }
0x7c: {  	[spmem:s2] =	stream.indirect.scatter.add.f32 [tilespmem:s20], [sflag:$0x5], $0x40, s31, s16, $0xb8;
	[tilespmem:$0x16E00] =	vst v63  }
0x7d: {  	_ =	swait.ge [sflag:s14], $0x2000  }
0x7e: {  	[sflag:s14] =	ssyncset.done $0x0  }
0x7f: {  	[sflag:s14] =	ssyncadd.s32 $0xFFFFE000  }
0x80: {  	[tilespmem:s20], [sflag:$0x3] =	stream.indirect.gather [hbm4b:s4+s16], $0x40, s19, s16, $0xb8;
	[tilespmem:$0x16E00] =	vst v63  }
0x81: {  	_ =	swait.ge [sflag:s28], $0x2000  }
0x82: {  	[sflag:s28] =	ssyncset.done $0x0  }
0x83: {  	[sflag:s28] =	ssyncadd.s32 $0xFFFFE000  }
0x84: {  	[spmem:s2] =	stream.indirect.scatter.add.f32 [tilespmem:s22], [sflag:$0x5], $0x40, s1, s16, $0xb8;
	[tilespmem:$0x16E00] =	vst v63  }
0x85: {  	_ =	swait.ge [sflag:s14], $0x2000  }
0x86: {  	[sflag:s14] =	ssyncset.done $0x0  }
0x87: {  	[sflag:s14] =	ssyncadd.s32 $0xFFFFE000  }
0x88: {  	[tilespmem:s22], [sflag:$0x4] =	stream.indirect.gather [hbm4b:s4+s16], $0x40, s21, s16, $0xb8;
	[tilespmem:$0x16E00] =	vst v63  }
0x89: {  	_ =	swait.ge [sflag:s23], $0x2000  }
0x8a: {  	[sflag:s23] =	ssyncset.done $0x0  }
0x8b: {  	[sflag:s23] =	ssyncadd.s32 $0xFFFFE000  }
0x8c: {  	_ =	swait.ge [sflag:s24], $0x2000  }
0x8d: {  	[sflag:s24] =	ssyncset.done $0x0  }
0x8e: {  	[sflag:s24] =	ssyncadd.s32 $0xFFFFE000  }
0x8f: {  	_ =	swait.ge [sflag:s26], $0x2000  }
0x90: {  	[sflag:s26] =	ssyncset.done $0x0  }
0x91: {  	[sflag:s26] =	ssyncadd.s32 $0xFFFFE000  }
0x92: {  	_ =	swait.ge [sflag:s28], $0x2000  }
0x93: {  	[sflag:s28] =	ssyncset.done $0x0  }
0x94: {  	[sflag:s28] =	ssyncadd.s32 $0xFFFFE000  }
0x95: {  	s15 =	simm.s32 @p0 $0x5;
	[bflag:$0x0] =	sbarrier.arrive $0xFFFF  }
0x96: {  	[hbm:s11], [sflag:s7] =	dma.local @p0 [spmem:s25], $0x1040  }
0x97: {  	_ =	swait.ge @p0 [sflag:s15], $0x1040  }
0x98: {  	s0 =	sadd.s32 $0x1, s0;
	[sflag:s15] =	ssyncset.done @p0 $0x0  }
0x99: {  	p1 =	sne.s32 s0, s12;
	[sflag:s15] =	ssyncadd.s32 @p0 $0xFFFFEFC0;
	s15 =	sshrl.u32 @!p0 s5, $0x3  }
0x9a: {  	[hbm:s10], [sflag:s7] =	dma.local @!p0 [spmem:s15], $0x13C0  }
.Ltmp1:
0x9b: {  	_ = 	snop;
	(pc) =	sbr.rel @p1 .LBB2_1-.Ltmp1, $4  }
0x9c: {  	s15 =	simm.s32 @!p0 $0x5  }
0x9d: {  	_ =	swait.ge @!p0 [sflag:s15], $0x13C0  }
0x9e: {  	[sflag:s15] =	ssyncset.done @!p0 $0x0  }
0x9f: {  	[sflag:s15] =	ssyncadd.s32 @!p0 $0xFFFFEC40  }
0xa0: {  	_ =	sfence.sel $0x180000  }
0xa1: {  	[bflag:$0x0] =	sbarrier.arrive $0xFFFF  }
0xa2: {  	_ =	strace $0x90000047  }
0xa3: {  	s0 =	stileid.u32;
	[bflag:$0x2] =	sbarrier.arrive $0xFFFF  }
0xa4: {  	p0 =	sne.s32 s0, $0x0;
	s0 =	rddreg [dreg:$0x2]  }
0xa5: {  	s0 =	sadd.s32 @!p0 $0x100000, s0  }
0xa6: {  	[sflag:s0] =	ssyncadd.tile.s32 @!p0 $0x1;
	_ =	shalt  }
.Lfunc_end2:
_tile_overlayer_lowered:
.L_overlay_start_2:
0xa7: {  	(tag) =	ssettag $0x2  }
0xa8: {  	s0 =	rddreg [dreg:$0x0];
	s2 =	stileid.u32  }
0xa9: {  	s1 =	rddreg [dreg:$0x1];
	p0 =	sne.s32 s2, $0x0  }
0xaa: {  	s3 =	rddreg [dreg:$0x2];
	[bflag:$0x3] =	sbarrier.arrive $0xFFFF;
	s2 =	simm.s32 @!p0 $0x1C05  }
0xab: {  	[timem:s3], [sflag:s2] =	dma.local @!p0 [hbm:s0], s1  }
0xac: {  	s0 =	simm.s32 @!p0 $0x5  }
0xad: {  	_ =	swait.ge @!p0 [sflag:s0], s1  }
0xae: {  	s1 =	ssub.s32 @!p0 $0x0, s1;
	[sflag:s0] =	ssyncset.done @!p0 $0x0  }
0xaf: {  	[sflag:s0] =	ssyncadd.s32 @!p0 s1  }
0xb0: {  	[bflag:$0x3] =	sbarrier.arrive $0xFFFF  }
0xb1: {  	_ =	shalt  }

</sc_bundles>
